<compile_context>
chip_gen: v7x
topology: tpu7x:2x2x1
jax: 0.10.2.dev20260603
libtpu: 0.0.44.dev20260713+nightly
codegen_flags: <defaults>
</compile_context>

<pallas_src>
import functools

import jax
import jax.numpy as jnp
from jax import lax
from jax.experimental import pallas as pl
from jax.experimental.pallas import tpu as pltpu
from jax.experimental.pallas import tpu_sc as plsc

_INFO = plsc.get_sparse_core_info()
_NC, _NS = _INFO.num_cores, _INFO.num_subcores
_NW = _NC * _NS

_G = 128
_HALF = 5
_NBUF = 2 * _HALF


@functools.lru_cache(maxsize=None)
def _make_lookup(bf: int, vocab2: int, d: int, dpad: int):
    b_per_w = bf // _NW
    n_chunks = b_per_w // _G
    n_body = n_chunks // _NBUF
    mesh = plsc.VectorSubcoreMesh(core_axis_name="c", subcore_axis_name="s")

    @functools.partial(
        pl.kernel,
        mesh=mesh,
        compiler_params=pltpu.CompilerParams(use_tc_tiling_on_sc=False),
        out_type=jax.ShapeDtypeStruct((bf, dpad), jnp.float32),
        scratch_types=[
            pltpu.VMEM((b_per_w,), jnp.int32),
            pltpu.VMEM((_NBUF, _G, d), jnp.float32),
            pltpu.SemaphoreType.DMA((_NBUF,)),
            pltpu.SemaphoreType.DMA((_NBUF,)),
        ],
    )
    def lookup(x_hbm, table_hbm, out_hbm, idx_v, rows_v, gsem, ssem):
        wid = lax.axis_index("s") * _NC + lax.axis_index("c")
        base = wid * b_per_w
        pltpu.sync_copy(x_hbm.at[pl.ds(base, b_per_w)], idx_v)

        def start_gather(c, buf):
            pltpu.make_async_copy(
                table_hbm.at[idx_v.at[pl.ds(c * _G, _G)]],
                rows_v.at[buf],
                gsem.at[buf],
            ).start()

        def wait_gather(buf):
            pltpu.make_async_copy(
                table_hbm.at[pl.ds(0, _G)], rows_v.at[buf], gsem.at[buf]
            ).wait()

        def start_store(c, buf):
            pltpu.make_async_copy(
                rows_v.at[buf],
                out_hbm.at[pl.ds(base + c * _G, _G), pl.ds(0, d)],
                ssem.at[buf],
            ).start()

        def wait_store(buf):
            pltpu.make_async_copy(
                out_hbm.at[pl.ds(0, _G), pl.ds(0, d)],
                rows_v.at[buf],
                ssem.at[buf],
            ).wait()

        for b in range(_HALF):
            start_gather(b, b)

        def body(t, carry):
            c0 = t * _NBUF
            for b in range(_HALF):
                wait_gather(b)
                start_store(c0 + b, b)
            for b in range(_HALF):
                @pl.when(t > 0)
                def _(b=b):
                    wait_store(_HALF + b)
                start_gather(c0 + _HALF + b, _HALF + b)
            for b in range(_HALF):
                wait_gather(_HALF + b)
                start_store(c0 + _HALF + b, _HALF + b)
            for b in range(_HALF):
                @pl.when(t < n_body - 1)
                def _(b=b):
                    wait_store(b)
                    start_gather(c0 + _NBUF + b, b)
            return carry

        lax.fori_loop(0, n_body, body, 0)

        for b in range(_NBUF):
            wait_store(b)

    return lookup


def kernel(x, table):
    vocab, d = table.shape
    tp = jnp.pad(table, ((0, 0), (0, d)))
    t2 = tp.reshape(2 * vocab, d)
    flat2 = 2 * x.reshape(-1).astype(jnp.int32)
    lookup = _make_lookup(flat2.shape[0], 2 * vocab, d, 2 * d)
    padded = lookup(flat2, t2)
    return padded[:, :d].reshape(x.shape + (d,))

# --- scband reference (transcript-rebuilt; emitter-appended) ---
"""Pipeline reference for scband-word-embedding-35072702939584 (READ-ONLY COPY).

The authoritative reference and input builder live on the scoring server;
editing this copy changes nothing except your own understanding.
"""

import jax, jax.numpy as jnp
import numpy as np

VOCAB = 1000000
EMBED_DIM = 64
BATCH = 4096
HIST = 200


def setup_inputs(seed: int = 0) -> dict:
    key = jax.random.key(seed)
    k_idx, k_tab = jax.random.split(key)
    x = jax.random.randint(k_idx, (BATCH, HIST), 0, VOCAB, dtype=jnp.int64 if jax.config.jax_enable_x64 else jnp.int32)
    table = jax.random.normal(k_tab, (VOCAB, EMBED_DIM), dtype=jnp.float32)
    return {"x": x, "table": table}


def reference(x, table):
    # Faithful translation of WordEmbedding.forward:
    # flatten leading dims, gather rows from embedding table, reshape back.
    orig_shape = x.shape
    flat_x = x.reshape(-1, orig_shape[-1])
    flat_out = jnp.take(table, flat_x, axis=0)
    out = flat_out.reshape(orig_shape + (table.shape[-1],))
    return out

if __name__ == "__main__":
    import jax
    _d = setup_inputs()
    print(jax.jit(kernel)(*tuple(_d.values())))

</pallas_src>

<mosaic_0001>
#map = affine_map<(d0, d1) -> (0)>
#map1 = affine_map<(d0, d1) -> (0, 0)>
module attributes {stable_mosaic.version = 14 : i64} {
  func.func @lookup(%arg0: i32, %arg1: i32, %arg2: memref<819200xi32, #tpu.memory_space<hbm>>, %arg3: memref<2000000x64xf32, #tpu.memory_space<hbm>>, %arg4: memref<819200x128xf32, #tpu.memory_space<hbm>>, %arg5: memref<25600xi32, #tpu.memory_space<vmem>>, %arg6: memref<10x128x64xf32, #tpu.memory_space<vmem>>, %arg7: memref<10x!tpu.dma_semaphore, #tpu.memory_space<semaphore_mem>>, %arg8: memref<10x!tpu.dma_semaphore, #tpu.memory_space<semaphore_mem>>) attributes {dimension_semantics = [#tpu.dimension_semantics<core_parallel>, #tpu.dimension_semantics<subcore_parallel>], iteration_bounds = array<i64: 2, 16>, scalar_prefetch = 0 : i64, scratch_operands = 4 : i64, tpu.core_type = #tpu.core_type<sc_vector_subcore>, window_params = [{transform_indices = #map}, {transform_indices = #map1}, {transform_indices = #map1}]} {
    %mul3A = arith.constant 2 : i32
    %mul3A_0 = arith.muli %arg1, %mul3A : i32
    %add3A = arith.addi %mul3A_0, %arg0 : i32
    %mul3A_1 = arith.constant 25600 : i32
    %mul3A_2 = arith.muli %add3A, %mul3A_1 : i32
    "tpu.region"() ({
      %run_scoped3A = tpu.sem_alloc : memref<!tpu.dma_semaphore, #tpu.memory_space<semaphore_mem>>
      %dma_start3A_251 = tpu.memref_slice %arg2[%mul3A_2] : memref<819200xi32, #tpu.memory_space<hbm>> -> memref<25600xi32, #tpu.memory_space<hbm>>
      %dma_start3A_252 = tpu.memref_slice %arg2[%mul3A_2] : memref<819200xi32, #tpu.memory_space<hbm>> -> memref<25600xi32, #tpu.memory_space<hbm>>
      tpu.enqueue_dma source(%dma_start3A_252 : memref<25600xi32, #tpu.memory_space<hbm>>) target(%arg5 : memref<25600xi32, #tpu.memory_space<vmem>>) target_semaphore(%run_scoped3A : memref<!tpu.dma_semaphore, #tpu.memory_space<semaphore_mem>>)
      %dma_wait3A_253 = tpu.memref_slice %arg2[%mul3A_2] : memref<819200xi32, #tpu.memory_space<hbm>> -> memref<25600xi32, #tpu.memory_space<hbm>>
      %dma_wait3A_254 = tpu.memref_slice %arg2[%mul3A_2] : memref<819200xi32, #tpu.memory_space<hbm>> -> memref<25600xi32, #tpu.memory_space<hbm>>
      tpu.wait_dma2 semaphore(%run_scoped3A : memref<!tpu.dma_semaphore, #tpu.memory_space<semaphore_mem>>) src(%dma_wait3A_254 : memref<25600xi32, #tpu.memory_space<hbm>>) dst(%arg5 : memref<25600xi32, #tpu.memory_space<vmem>>)
      tpu.yield
    }) : () -> ()
    %dma_start3A = arith.constant 0 : i32
    %dma_start3A_3 = arith.constant 0 : i32
    %dma_start3A_4 = arith.constant 0 : i32
    %dma_start3A_5 = arith.constant 0 : i32
    %dma_start3A_6 = tpu.memref_slice %arg6[%dma_start3A, %dma_start3A_4, %dma_start3A_5] : memref<10x128x64xf32, #tpu.memory_space<vmem>> -> memref<1x128x64xf32, #tpu.memory_space<vmem>>
    %dma_start3A_7 = tpu.memref_squeeze %dma_start3A_6 : memref<1x128x64xf32, #tpu.memory_space<vmem>> -> memref<128x64xf32, #tpu.memory_space<vmem>>
    %dma_start3A_8 = arith.constant 0 : i32
    %dma_start3A_9 = tpu.memref_slice %arg5[%dma_start3A_8] : memref<25600xi32, #tpu.memory_space<vmem>> -> memref<128xi32, #tpu.memory_space<vmem>>
    %dma_start3A_10 = arith.constant 0 : i32
    %dma_start3A_11 = arith.constant 0 : i32
    %dma_start3A_12 = tpu.memref_slice %arg3[%dma_start3A_10, %dma_start3A_11] : memref<2000000x64xf32, #tpu.memory_space<hbm>> -> memref<2000000x64xf32, #tpu.memory_space<hbm>>
    %dma_start3A_13 = tpu.memref_slice %arg7[%dma_start3A_3] : memref<10x!tpu.dma_semaphore, #tpu.memory_space<semaphore_mem>> -> memref<1x!tpu.dma_semaphore, #tpu.memory_space<semaphore_mem>>
    %dma_start3A_14 = tpu.memref_squeeze %dma_start3A_13 : memref<1x!tpu.dma_semaphore, #tpu.memory_space<semaphore_mem>> -> memref<!tpu.dma_semaphore, #tpu.memory_space<semaphore_mem>>
    tpu.enqueue_indirect_dma source(%dma_start3A_12 : memref<2000000x64xf32, #tpu.memory_space<hbm>>) target(%dma_start3A_7 : memref<128x64xf32, #tpu.memory_space<vmem>>) offsets(%dma_start3A_9 : memref<128xi32, #tpu.memory_space<vmem>>) semaphore(%dma_start3A_14 : memref<!tpu.dma_semaphore, #tpu.memory_space<semaphore_mem>>)
    %dma_start3A_15 = arith.constant 1 : i32
    %dma_start3A_16 = arith.constant 1 : i32
    %dma_start3A_17 = arith.constant 0 : i32
    %dma_start3A_18 = arith.constant 0 : i32
    %dma_start3A_19 = tpu.memref_slice %arg6[%dma_start3A_15, %dma_start3A_17, %dma_start3A_18] : memref<10x128x64xf32, #tpu.memory_space<vmem>> -> memref<1x128x64xf32, #tpu.memory_space<vmem>>
    %dma_start3A_20 = tpu.memref_squeeze %dma_start3A_19 : memref<1x128x64xf32, #tpu.memory_space<vmem>> -> memref<128x64xf32, #tpu.memory_space<vmem>>
    %dma_start3A_21 = arith.constant 128 : i32
    %dma_start3A_22 = tpu.memref_slice %arg5[%dma_start3A_21] : memref<25600xi32, #tpu.memory_space<vmem>> -> memref<128xi32, #tpu.memory_space<vmem>>
    %dma_start3A_23 = arith.constant 0 : i32
    %dma_start3A_24 = arith.constant 0 : i32
    %dma_start3A_25 = tpu.memref_slice %arg3[%dma_start3A_23, %dma_start3A_24] : memref<2000000x64xf32, #tpu.memory_space<hbm>> -> memref<2000000x64xf32, #tpu.memory_space<hbm>>
    %dma_start3A_26 = tpu.memref_slice %arg7[%dma_start3A_16] : memref<10x!tpu.dma_semaphore, #tpu.memory_space<semaphore_mem>> -> memref<1x!tpu.dma_semaphore, #tpu.memory_space<semaphore_mem>>
    %dma_start3A_27 = tpu.memref_squeeze %dma_start3A_26 : memref<1x!tpu.dma_semaphore, #tpu.memory_space<semaphore_mem>> -> memref<!tpu.dma_semaphore, #tpu.memory_space<semaphore_mem>>
    tpu.enqueue_indirect_dma source(%dma_start3A_25 : memref<2000000x64xf32, #tpu.memory_space<hbm>>) target(%dma_start3A_20 : memref<128x64xf32, #tpu.memory_space<vmem>>) offsets(%dma_start3A_22 : memref<128xi32, #tpu.memory_space<vmem>>) semaphore(%dma_start3A_27 : memref<!tpu.dma_semaphore, #tpu.memory_space<semaphore_mem>>)
    %dma_start3A_28 = arith.constant 2 : i32
    %dma_start3A_29 = arith.constant 2 : i32
    %dma_start3A_30 = arith.constant 0 : i32
    %dma_start3A_31 = arith.constant 0 : i32
    %dma_start3A_32 = tpu.memref_slice %arg6[%dma_start3A_28, %dma_start3A_30, %dma_start3A_31] : memref<10x128x64xf32, #tpu.memory_space<vmem>> -> memref<1x128x64xf32, #tpu.memory_space<vmem>>
    %dma_start3A_33 = tpu.memref_squeeze %dma_start3A_32 : memref<1x128x64xf32, #tpu.memory_space<vmem>> -> memref<128x64xf32, #tpu.memory_space<vmem>>
    %dma_start3A_34 = arith.constant 256 : i32
    %dma_start3A_35 = tpu.memref_slice %arg5[%dma_start3A_34] : memref<25600xi32, #tpu.memory_space<vmem>> -> memref<128xi32, #tpu.memory_space<vmem>>
    %dma_start3A_36 = arith.constant 0 : i32
    %dma_start3A_37 = arith.constant 0 : i32
    %dma_start3A_38 = tpu.memref_slice %arg3[%dma_start3A_36, %dma_start3A_37] : memref<2000000x64xf32, #tpu.memory_space<hbm>> -> memref<2000000x64xf32, #tpu.memory_space<hbm>>
    %dma_start3A_39 = tpu.memref_slice %arg7[%dma_start3A_29] : memref<10x!tpu.dma_semaphore, #tpu.memory_space<semaphore_mem>> -> memref<1x!tpu.dma_semaphore, #tpu.memory_space<semaphore_mem>>
    %dma_start3A_40 = tpu.memref_squeeze %dma_start3A_39 : memref<1x!tpu.dma_semaphore, #tpu.memory_space<semaphore_mem>> -> memref<!tpu.dma_semaphore, #tpu.memory_space<semaphore_mem>>
    tpu.enqueue_indirect_dma source(%dma_start3A_38 : memref<2000000x64xf32, #tpu.memory_space<hbm>>) target(%dma_start3A_33 : memref<128x64xf32, #tpu.memory_space<vmem>>) offsets(%dma_start3A_35 : memref<128xi32, #tpu.memory_space<vmem>>) semaphore(%dma_start3A_40 : memref<!tpu.dma_semaphore, #tpu.memory_space<semaphore_mem>>)
    %dma_start3A_41 = arith.constant 3 : i32
    %dma_start3A_42 = arith.constant 3 : i32
    %dma_start3A_43 = arith.constant 0 : i32
    %dma_start3A_44 = arith.constant 0 : i32
    %dma_start3A_45 = tpu.memref_slice %arg6[%dma_start3A_41, %dma_start3A_43, %dma_start3A_44] : memref<10x128x64xf32, #tpu.memory_space<vmem>> -> memref<1x128x64xf32, #tpu.memory_space<vmem>>
    %dma_start3A_46 = tpu.memref_squeeze %dma_start3A_45 : memref<1x128x64xf32, #tpu.memory_space<vmem>> -> memref<128x64xf32, #tpu.memory_space<vmem>>
    %dma_start3A_47 = arith.constant 384 : i32
    %dma_start3A_48 = tpu.memref_slice %arg5[%dma_start3A_47] : memref<25600xi32, #tpu.memory_space<vmem>> -> memref<128xi32, #tpu.memory_space<vmem>>
    %dma_start3A_49 = arith.constant 0 : i32
    %dma_start3A_50 = arith.constant 0 : i32
    %dma_start3A_51 = tpu.memref_slice %arg3[%dma_start3A_49, %dma_start3A_50] : memref<2000000x64xf32, #tpu.memory_space<hbm>> -> memref<2000000x64xf32, #tpu.memory_space<hbm>>
    %dma_start3A_52 = tpu.memref_slice %arg7[%dma_start3A_42] : memref<10x!tpu.dma_semaphore, #tpu.memory_space<semaphore_mem>> -> memref<1x!tpu.dma_semaphore, #tpu.memory_space<semaphore_mem>>
    %dma_start3A_53 = tpu.memref_squeeze %dma_start3A_52 : memref<1x!tpu.dma_semaphore, #tpu.memory_space<semaphore_mem>> -> memref<!tpu.dma_semaphore, #tpu.memory_space<semaphore_mem>>
    tpu.enqueue_indirect_dma source(%dma_start3A_51 : memref<2000000x64xf32, #tpu.memory_space<hbm>>) target(%dma_start3A_46 : memref<128x64xf32, #tpu.memory_space<vmem>>) offsets(%dma_start3A_48 : memref<128xi32, #tpu.memory_space<vmem>>) semaphore(%dma_start3A_53 : memref<!tpu.dma_semaphore, #tpu.memory_space<semaphore_mem>>)
    %dma_start3A_54 = arith.constant 4 : i32
    %dma_start3A_55 = arith.constant 4 : i32
    %dma_start3A_56 = arith.constant 0 : i32
    %dma_start3A_57 = arith.constant 0 : i32
    %dma_start3A_58 = tpu.memref_slice %arg6[%dma_start3A_54, %dma_start3A_56, %dma_start3A_57] : memref<10x128x64xf32, #tpu.memory_space<vmem>> -> memref<1x128x64xf32, #tpu.memory_space<vmem>>
    %dma_start3A_59 = tpu.memref_squeeze %dma_start3A_58 : memref<1x128x64xf32, #tpu.memory_space<vmem>> -> memref<128x64xf32, #tpu.memory_space<vmem>>
    %dma_start3A_60 = arith.constant 512 : i32
    %dma_start3A_61 = tpu.memref_slice %arg5[%dma_start3A_60] : memref<25600xi32, #tpu.memory_space<vmem>> -> memref<128xi32, #tpu.memory_space<vmem>>
    %dma_start3A_62 = arith.constant 0 : i32
    %dma_start3A_63 = arith.constant 0 : i32
    %dma_start3A_64 = tpu.memref_slice %arg3[%dma_start3A_62, %dma_start3A_63] : memref<2000000x64xf32, #tpu.memory_space<hbm>> -> memref<2000000x64xf32, #tpu.memory_space<hbm>>
    %dma_start3A_65 = tpu.memref_slice %arg7[%dma_start3A_55] : memref<10x!tpu.dma_semaphore, #tpu.memory_space<semaphore_mem>> -> memref<1x!tpu.dma_semaphore, #tpu.memory_space<semaphore_mem>>
    %dma_start3A_66 = tpu.memref_squeeze %dma_start3A_65 : memref<1x!tpu.dma_semaphore, #tpu.memory_space<semaphore_mem>> -> memref<!tpu.dma_semaphore, #tpu.memory_space<semaphore_mem>>
    tpu.enqueue_indirect_dma source(%dma_start3A_64 : memref<2000000x64xf32, #tpu.memory_space<hbm>>) target(%dma_start3A_59 : memref<128x64xf32, #tpu.memory_space<vmem>>) offsets(%dma_start3A_61 : memref<128xi32, #tpu.memory_space<vmem>>) semaphore(%dma_start3A_66 : memref<!tpu.dma_semaphore, #tpu.memory_space<semaphore_mem>>)
    %scan3A = arith.constant 0 : i32
    %scan3A_67 = arith.constant 0 : i32
    %scan3A_68 = arith.constant 20 : i32
    %scan3A_69 = arith.addi %scan3A_67, %scan3A_68 : i32
    %scan3A_70 = arith.constant 1 : i32
    scf.for %scan3A_251 = %scan3A_67 to %scan3A_69 step %scan3A_70  : i32 {
      %mul3A_252 = arith.constant 10 : i32
      %mul3A_253 = arith.muli %scan3A_251, %mul3A_252 : i32
      %dma_wait3A_254 = arith.constant 0 : i32
      %dma_wait3A_255 = arith.constant 0 : i32
      %dma_wait3A_256 = arith.constant 0 : i32
      %dma_wait3A_257 = arith.constant 0 : i32
      %dma_wait3A_258 = tpu.memref_slice %arg6[%dma_wait3A_254, %dma_wait3A_256, %dma_wait3A_257] : memref<10x128x64xf32, #tpu.memory_space<vmem>> -> memref<1x128x64xf32, #tpu.memory_space<vmem>>
      %dma_wait3A_259 = tpu.memref_squeeze %dma_wait3A_258 : memref<1x128x64xf32, #tpu.memory_space<vmem>> -> memref<128x64xf32, #tpu.memory_space<vmem>>
      %dma_wait3A_260 = arith.constant 0 : i32
      %dma_wait3A_261 = arith.constant 0 : i32
      %dma_wait3A_262 = tpu.memref_slice %arg3[%dma_wait3A_260, %dma_wait3A_261] : memref<2000000x64xf32, #tpu.memory_space<hbm>> -> memref<128x64xf32, #tpu.memory_space<hbm>>
      %dma_wait3A_263 = tpu.memref_slice %arg7[%dma_wait3A_255] : memref<10x!tpu.dma_semaphore, #tpu.memory_space<semaphore_mem>> -> memref<1x!tpu.dma_semaphore, #tpu.memory_space<semaphore_mem>>
      %dma_wait3A_264 = tpu.memref_squeeze %dma_wait3A_263 : memref<1x!tpu.dma_semaphore, #tpu.memory_space<semaphore_mem>> -> memref<!tpu.dma_semaphore, #tpu.memory_space<semaphore_mem>>
      %dma_wait3A_265 = arith.constant 0 : i32
      %dma_wait3A_266 = arith.constant 0 : i32
      %dma_wait3A_267 = tpu.memref_slice %arg6[%dma_wait3A_254, %dma_wait3A_265, %dma_wait3A_266] : memref<10x128x64xf32, #tpu.memory_space<vmem>> -> memref<1x128x64xf32, #tpu.memory_space<vmem>>
      %dma_wait3A_268 = tpu.memref_squeeze %dma_wait3A_267 : memref<1x128x64xf32, #tpu.memory_space<vmem>> -> memref<128x64xf32, #tpu.memory_space<vmem>>
      %dma_wait3A_269 = arith.constant 0 : i32
      %dma_wait3A_270 = arith.constant 0 : i32
      %dma_wait3A_271 = tpu.memref_slice %arg3[%dma_wait3A_269, %dma_wait3A_270] : memref<2000000x64xf32, #tpu.memory_space<hbm>> -> memref<128x64xf32, #tpu.memory_space<hbm>>
      tpu.wait_dma2 semaphore(%dma_wait3A_264 : memref<!tpu.dma_semaphore, #tpu.memory_space<semaphore_mem>>) src(%dma_wait3A_271 : memref<128x64xf32, #tpu.memory_space<hbm>>) dst(%dma_wait3A_268 : memref<128x64xf32, #tpu.memory_space<vmem>>)
      %add3A_272 = arith.constant 0 : i32
      %add3A_273 = arith.addi %mul3A_253, %add3A_272 : i32
      %mul3A_274 = arith.constant 128 : i32
      %mul3A_275 = arith.muli %add3A_273, %mul3A_274 : i32
      %add3A_276 = arith.addi %mul3A_2, %mul3A_275 : i32
      %dma_start3A_277 = arith.constant 0 : i32
      %dma_start3A_278 = arith.constant 0 : i32
      %dma_start3A_279 = arith.constant 0 : i32
      %dma_start3A_280 = arith.constant 0 : i32
      %dma_start3A_281 = tpu.memref_slice %arg6[%dma_start3A_277, %dma_start3A_279, %dma_start3A_280] : memref<10x128x64xf32, #tpu.memory_space<vmem>> -> memref<1x128x64xf32, #tpu.memory_space<vmem>>
      %dma_start3A_282 = tpu.memref_squeeze %dma_start3A_281 : memref<1x128x64xf32, #tpu.memory_space<vmem>> -> memref<128x64xf32, #tpu.memory_space<vmem>>
      %dma_start3A_283 = arith.constant 0 : i32
      %dma_start3A_284 = tpu.memref_slice %arg4[%add3A_276, %dma_start3A_283] : memref<819200x128xf32, #tpu.memory_space<hbm>> -> memref<128x64xf32, #tpu.memory_space<hbm>>
      %dma_start3A_285 = tpu.memref_slice %arg8[%dma_start3A_278] : memref<10x!tpu.dma_semaphore, #tpu.memory_space<semaphore_mem>> -> memref<1x!tpu.dma_semaphore, #tpu.memory_space<semaphore_mem>>
      %dma_start3A_286 = tpu.memref_squeeze %dma_start3A_285 : memref<1x!tpu.dma_semaphore, #tpu.memory_space<semaphore_mem>> -> memref<!tpu.dma_semaphore, #tpu.memory_space<semaphore_mem>>
      %dma_start3A_287 = arith.constant 0 : i32
      %dma_start3A_288 = tpu.memref_slice %arg4[%add3A_276, %dma_start3A_287] : memref<819200x128xf32, #tpu.memory_space<hbm>> -> memref<128x64xf32, #tpu.memory_space<hbm>>
      %dma_start3A_289 = arith.constant 0 : i32
      %dma_start3A_290 = arith.constant 0 : i32
      %dma_start3A_291 = tpu.memref_slice %arg6[%dma_start3A_277, %dma_start3A_289, %dma_start3A_290] : memref<10x128x64xf32, #tpu.memory_space<vmem>> -> memref<1x128x64xf32, #tpu.memory_space<vmem>>
      %dma_start3A_292 = tpu.memref_squeeze %dma_start3A_291 : memref<1x128x64xf32, #tpu.memory_space<vmem>> -> memref<128x64xf32, #tpu.memory_space<vmem>>
      tpu.enqueue_dma source(%dma_start3A_292 : memref<128x64xf32, #tpu.memory_space<vmem>>) target(%dma_start3A_288 : memref<128x64xf32, #tpu.memory_space<hbm>>) target_semaphore(%dma_start3A_286 : memref<!tpu.dma_semaphore, #tpu.memory_space<semaphore_mem>>)
      %dma_wait3A_293 = arith.constant 1 : i32
      %dma_wait3A_294 = arith.constant 1 : i32
      %dma_wait3A_295 = arith.constant 0 : i32
      %dma_wait3A_296 = arith.constant 0 : i32
      %dma_wait3A_297 = tpu.memref_slice %arg6[%dma_wait3A_293, %dma_wait3A_295, %dma_wait3A_296] : memref<10x128x64xf32, #tpu.memory_space<vmem>> -> memref<1x128x64xf32, #tpu.memory_space<vmem>>
      %dma_wait3A_298 = tpu.memref_squeeze %dma_wait3A_297 : memref<1x128x64xf32, #tpu.memory_space<vmem>> -> memref<128x64xf32, #tpu.memory_space<vmem>>
      %dma_wait3A_299 = arith.constant 0 : i32
      %dma_wait3A_300 = arith.constant 0 : i32
      %dma_wait3A_301 = tpu.memref_slice %arg3[%dma_wait3A_299, %dma_wait3A_300] : memref<2000000x64xf32, #tpu.memory_space<hbm>> -> memref<128x64xf32, #tpu.memory_space<hbm>>
      %dma_wait3A_302 = tpu.memref_slice %arg7[%dma_wait3A_294] : memref<10x!tpu.dma_semaphore, #tpu.memory_space<semaphore_mem>> -> memref<1x!tpu.dma_semaphore, #tpu.memory_space<semaphore_mem>>
      %dma_wait3A_303 = tpu.memref_squeeze %dma_wait3A_302 : memref<1x!tpu.dma_semaphore, #tpu.memory_space<semaphore_mem>> -> memref<!tpu.dma_semaphore, #tpu.memory_space<semaphore_mem>>
      %dma_wait3A_304 = arith.constant 0 : i32
      %dma_wait3A_305 = arith.constant 0 : i32
      %dma_wait3A_306 = tpu.memref_slice %arg6[%dma_wait3A_293, %dma_wait3A_304, %dma_wait3A_305] : memref<10x128x64xf32, #tpu.memory_space<vmem>> -> memref<1x128x64xf32, #tpu.memory_space<vmem>>
      %dma_wait3A_307 = tpu.memref_squeeze %dma_wait3A_306 : memref<1x128x64xf32, #tpu.memory_space<vmem>> -> memref<128x64xf32, #tpu.memory_space<vmem>>
      %dma_wait3A_308 = arith.constant 0 : i32
      %dma_wait3A_309 = arith.constant 0 : i32
      %dma_wait3A_310 = tpu.memref_slice %arg3[%dma_wait3A_308, %dma_wait3A_309] : memref<2000000x64xf32, #tpu.memory_space<hbm>> -> memref<128x64xf32, #tpu.memory_space<hbm>>
      tpu.wait_dma2 semaphore(%dma_wait3A_303 : memref<!tpu.dma_semaphore, #tpu.memory_space<semaphore_mem>>) src(%dma_wait3A_310 : memref<128x64xf32, #tpu.memory_space<hbm>>) dst(%dma_wait3A_307 : memref<128x64xf32, #tpu.memory_space<vmem>>)
      %add3A_311 = arith.constant 1 : i32
      %add3A_312 = arith.addi %mul3A_253, %add3A_311 : i32
      %mul3A_313 = arith.constant 128 : i32
      %mul3A_314 = arith.muli %add3A_312, %mul3A_313 : i32
      %add3A_315 = arith.addi %mul3A_2, %mul3A_314 : i32
      %dma_start3A_316 = arith.constant 1 : i32
      %dma_start3A_317 = arith.constant 1 : i32
      %dma_start3A_318 = arith.constant 0 : i32
      %dma_start3A_319 = arith.constant 0 : i32
      %dma_start3A_320 = tpu.memref_slice %arg6[%dma_start3A_316, %dma_start3A_318, %dma_start3A_319] : memref<10x128x64xf32, #tpu.memory_space<vmem>> -> memref<1x128x64xf32, #tpu.memory_space<vmem>>
      %dma_start3A_321 = tpu.memref_squeeze %dma_start3A_320 : memref<1x128x64xf32, #tpu.memory_space<vmem>> -> memref<128x64xf32, #tpu.memory_space<vmem>>
      %dma_start3A_322 = arith.constant 0 : i32
      %dma_start3A_323 = tpu.memref_slice %arg4[%add3A_315, %dma_start3A_322] : memref<819200x128xf32, #tpu.memory_space<hbm>> -> memref<128x64xf32, #tpu.memory_space<hbm>>
      %dma_start3A_324 = tpu.memref_slice %arg8[%dma_start3A_317] : memref<10x!tpu.dma_semaphore, #tpu.memory_space<semaphore_mem>> -> memref<1x!tpu.dma_semaphore, #tpu.memory_space<semaphore_mem>>
      %dma_start3A_325 = tpu.memref_squeeze %dma_start3A_324 : memref<1x!tpu.dma_semaphore, #tpu.memory_space<semaphore_mem>> -> memref<!tpu.dma_semaphore, #tpu.memory_space<semaphore_mem>>
      %dma_start3A_326 = arith.constant 0 : i32
      %dma_start3A_327 = tpu.memref_slice %arg4[%add3A_315, %dma_start3A_326] : memref<819200x128xf32, #tpu.memory_space<hbm>> -> memref<128x64xf32, #tpu.memory_space<hbm>>
      %dma_start3A_328 = arith.constant 0 : i32
      %dma_start3A_329 = arith.constant 0 : i32
      %dma_start3A_330 = tpu.memref_slice %arg6[%dma_start3A_316, %dma_start3A_328, %dma_start3A_329] : memref<10x128x64xf32, #tpu.memory_space<vmem>> -> memref<1x128x64xf32, #tpu.memory_space<vmem>>
      %dma_start3A_331 = tpu.memref_squeeze %dma_start3A_330 : memref<1x128x64xf32, #tpu.memory_space<vmem>> -> memref<128x64xf32, #tpu.memory_space<vmem>>
      tpu.enqueue_dma source(%dma_start3A_331 : memref<128x64xf32, #tpu.memory_space<vmem>>) target(%dma_start3A_327 : memref<128x64xf32, #tpu.memory_space<hbm>>) target_semaphore(%dma_start3A_325 : memref<!tpu.dma_semaphore, #tpu.memory_space<semaphore_mem>>)
      %dma_wait3A_332 = arith.constant 2 : i32
      %dma_wait3A_333 = arith.constant 2 : i32
      %dma_wait3A_334 = arith.constant 0 : i32
      %dma_wait3A_335 = arith.constant 0 : i32
      %dma_wait3A_336 = tpu.memref_slice %arg6[%dma_wait3A_332, %dma_wait3A_334, %dma_wait3A_335] : memref<10x128x64xf32, #tpu.memory_space<vmem>> -> memref<1x128x64xf32, #tpu.memory_space<vmem>>
      %dma_wait3A_337 = tpu.memref_squeeze %dma_wait3A_336 : memref<1x128x64xf32, #tpu.memory_space<vmem>> -> memref<128x64xf32, #tpu.memory_space<vmem>>
      %dma_wait3A_338 = arith.constant 0 : i32
      %dma_wait3A_339 = arith.constant 0 : i32
      %dma_wait3A_340 = tpu.memref_slice %arg3[%dma_wait3A_338, %dma_wait3A_339] : memref<2000000x64xf32, #tpu.memory_space<hbm>> -> memref<128x64xf32, #tpu.memory_space<hbm>>
      %dma_wait3A_341 = tpu.memref_slice %arg7[%dma_wait3A_333] : memref<10x!tpu.dma_semaphore, #tpu.memory_space<semaphore_mem>> -> memref<1x!tpu.dma_semaphore, #tpu.memory_space<semaphore_mem>>
      %dma_wait3A_342 = tpu.memref_squeeze %dma_wait3A_341 : memref<1x!tpu.dma_semaphore, #tpu.memory_space<semaphore_mem>> -> memref<!tpu.dma_semaphore, #tpu.memory_space<semaphore_mem>>
      %dma_wait3A_343 = arith.constant 0 : i32
      %dma_wait3A_344 = arith.constant 0 : i32
      %dma_wait3A_345 = tpu.memref_slice %arg6[%dma_wait3A_332, %dma_wait3A_343, %dma_wait3A_344] : memref<10x128x64xf32, #tpu.memory_space<vmem>> -> memref<1x128x64xf32, #tpu.memory_space<vmem>>
      %dma_wait3A_346 = tpu.memref_squeeze %dma_wait3A_345 : memref<1x128x64xf32, #tpu.memory_space<vmem>> -> memref<128x64xf32, #tpu.memory_space<vmem>>
      %dma_wait3A_347 = arith.constant 0 : i32
      %dma_wait3A_348 = arith.constant 0 : i32
      %dma_wait3A_349 = tpu.memref_slice %arg3[%dma_wait3A_347, %dma_wait3A_348] : memref<2000000x64xf32, #tpu.memory_space<hbm>> -> memref<128x64xf32, #tpu.memory_space<hbm>>
      tpu.wait_dma2 semaphore(%dma_wait3A_342 : memref<!tpu.dma_semaphore, #tpu.memory_space<semaphore_mem>>) src(%dma_wait3A_349 : memref<128x64xf32, #tpu.memory_space<hbm>>) dst(%dma_wait3A_346 : memref<128x64xf32, #tpu.memory_space<vmem>>)
      %add3A_350 = arith.constant 2 : i32
      %add3A_351 = arith.addi %mul3A_253, %add3A_350 : i32
      %mul3A_352 = arith.constant 128 : i32
      %mul3A_353 = arith.muli %add3A_351, %mul3A_352 : i32
      %add3A_354 = arith.addi %mul3A_2, %mul3A_353 : i32
      %dma_start3A_355 = arith.constant 2 : i32
      %dma_start3A_356 = arith.constant 2 : i32
      %dma_start3A_357 = arith.constant 0 : i32
      %dma_start3A_358 = arith.constant 0 : i32
      %dma_start3A_359 = tpu.memref_slice %arg6[%dma_start3A_355, %dma_start3A_357, %dma_start3A_358] : memref<10x128x64xf32, #tpu.memory_space<vmem>> -> memref<1x128x64xf32, #tpu.memory_space<vmem>>
      %dma_start3A_360 = tpu.memref_squeeze %dma_start3A_359 : memref<1x128x64xf32, #tpu.memory_space<vmem>> -> memref<128x64xf32, #tpu.memory_space<vmem>>
      %dma_start3A_361 = arith.constant 0 : i32
      %dma_start3A_362 = tpu.memref_slice %arg4[%add3A_354, %dma_start3A_361] : memref<819200x128xf32, #tpu.memory_space<hbm>> -> memref<128x64xf32, #tpu.memory_space<hbm>>
      %dma_start3A_363 = tpu.memref_slice %arg8[%dma_start3A_356] : memref<10x!tpu.dma_semaphore, #tpu.memory_space<semaphore_mem>> -> memref<1x!tpu.dma_semaphore, #tpu.memory_space<semaphore_mem>>
      %dma_start3A_364 = tpu.memref_squeeze %dma_start3A_363 : memref<1x!tpu.dma_semaphore, #tpu.memory_space<semaphore_mem>> -> memref<!tpu.dma_semaphore, #tpu.memory_space<semaphore_mem>>
      %dma_start3A_365 = arith.constant 0 : i32
      %dma_start3A_366 = tpu.memref_slice %arg4[%add3A_354, %dma_start3A_365] : memref<819200x128xf32, #tpu.memory_space<hbm>> -> memref<128x64xf32, #tpu.memory_space<hbm>>
      %dma_start3A_367 = arith.constant 0 : i32
      %dma_start3A_368 = arith.constant 0 : i32
      %dma_start3A_369 = tpu.memref_slice %arg6[%dma_start3A_355, %dma_start3A_367, %dma_start3A_368] : memref<10x128x64xf32, #tpu.memory_space<vmem>> -> memref<1x128x64xf32, #tpu.memory_space<vmem>>
      %dma_start3A_370 = tpu.memref_squeeze %dma_start3A_369 : memref<1x128x64xf32, #tpu.memory_space<vmem>> -> memref<128x64xf32, #tpu.memory_space<vmem>>
      tpu.enqueue_dma source(%dma_start3A_370 : memref<128x64xf32, #tpu.memory_space<vmem>>) target(%dma_start3A_366 : memref<128x64xf32, #tpu.memory_space<hbm>>) target_semaphore(%dma_start3A_364 : memref<!tpu.dma_semaphore, #tpu.memory_space<semaphore_mem>>)
      %dma_wait3A_371 = arith.constant 3 : i32
      %dma_wait3A_372 = arith.constant 3 : i32
      %dma_wait3A_373 = arith.constant 0 : i32
      %dma_wait3A_374 = arith.constant 0 : i32
      %dma_wait3A_375 = tpu.memref_slice %arg6[%dma_wait3A_371, %dma_wait3A_373, %dma_wait3A_374] : memref<10x128x64xf32, #tpu.memory_space<vmem>> -> memref<1x128x64xf32, #tpu.memory_space<vmem>>
      %dma_wait3A_376 = tpu.memref_squeeze %dma_wait3A_375 : memref<1x128x64xf32, #tpu.memory_space<vmem>> -> memref<128x64xf32, #tpu.memory_space<vmem>>
      %dma_wait3A_377 = arith.constant 0 : i32
      %dma_wait3A_378 = arith.constant 0 : i32
      %dma_wait3A_379 = tpu.memref_slice %arg3[%dma_wait3A_377, %dma_wait3A_378] : memref<2000000x64xf32, #tpu.memory_space<hbm>> -> memref<128x64xf32, #tpu.memory_space<hbm>>
      %dma_wait3A_380 = tpu.memref_slice %arg7[%dma_wait3A_372] : memref<10x!tpu.dma_semaphore, #tpu.memory_space<semaphore_mem>> -> memref<1x!tpu.dma_semaphore, #tpu.memory_space<semaphore_mem>>
      %dma_wait3A_381 = tpu.memref_squeeze %dma_wait3A_380 : memref<1x!tpu.dma_semaphore, #tpu.memory_space<semaphore_mem>> -> memref<!tpu.dma_semaphore, #tpu.memory_space<semaphore_mem>>
      %dma_wait3A_382 = arith.constant 0 : i32
      %dma_wait3A_383 = arith.constant 0 : i32
      %dma_wait3A_384 = tpu.memref_slice %arg6[%dma_wait3A_371, %dma_wait3A_382, %dma_wait3A_383] : memref<10x128x64xf32, #tpu.memory_space<vmem>> -> memref<1x128x64xf32, #tpu.memory_space<vmem>>
      %dma_wait3A_385 = tpu.memref_squeeze %dma_wait3A_384 : memref<1x128x64xf32, #tpu.memory_space<vmem>> -> memref<128x64xf32, #tpu.memory_space<vmem>>
      %dma_wait3A_386 = arith.constant 0 : i32
      %dma_wait3A_387 = arith.constant 0 : i32
      %dma_wait3A_388 = tpu.memref_slice %arg3[%dma_wait3A_386, %dma_wait3A_387] : memref<2000000x64xf32, #tpu.memory_space<hbm>> -> memref<128x64xf32, #tpu.memory_space<hbm>>
      tpu.wait_dma2 semaphore(%dma_wait3A_381 : memref<!tpu.dma_semaphore, #tpu.memory_space<semaphore_mem>>) src(%dma_wait3A_388 : memref<128x64xf32, #tpu.memory_space<hbm>>) dst(%dma_wait3A_385 : memref<128x64xf32, #tpu.memory_space<vmem>>)
      %add3A_389 = arith.constant 3 : i32
      %add3A_390 = arith.addi %mul3A_253, %add3A_389 : i32
      %mul3A_391 = arith.constant 128 : i32
      %mul3A_392 = arith.muli %add3A_390, %mul3A_391 : i32
      %add3A_393 = arith.addi %mul3A_2, %mul3A_392 : i32
      %dma_start3A_394 = arith.constant 3 : i32
      %dma_start3A_395 = arith.constant 3 : i32
      %dma_start3A_396 = arith.constant 0 : i32
      %dma_start3A_397 = arith.constant 0 : i32
      %dma_start3A_398 = tpu.memref_slice %arg6[%dma_start3A_394, %dma_start3A_396, %dma_start3A_397] : memref<10x128x64xf32, #tpu.memory_space<vmem>> -> memref<1x128x64xf32, #tpu.memory_space<vmem>>
      %dma_start3A_399 = tpu.memref_squeeze %dma_start3A_398 : memref<1x128x64xf32, #tpu.memory_space<vmem>> -> memref<128x64xf32, #tpu.memory_space<vmem>>
      %dma_start3A_400 = arith.constant 0 : i32
      %dma_start3A_401 = tpu.memref_slice %arg4[%add3A_393, %dma_start3A_400] : memref<819200x128xf32, #tpu.memory_space<hbm>> -> memref<128x64xf32, #tpu.memory_space<hbm>>
      %dma_start3A_402 = tpu.memref_slice %arg8[%dma_start3A_395] : memref<10x!tpu.dma_semaphore, #tpu.memory_space<semaphore_mem>> -> memref<1x!tpu.dma_semaphore, #tpu.memory_space<semaphore_mem>>
      %dma_start3A_403 = tpu.memref_squeeze %dma_start3A_402 : memref<1x!tpu.dma_semaphore, #tpu.memory_space<semaphore_mem>> -> memref<!tpu.dma_semaphore, #tpu.memory_space<semaphore_mem>>
      %dma_start3A_404 = arith.constant 0 : i32
      %dma_start3A_405 = tpu.memref_slice %arg4[%add3A_393, %dma_start3A_404] : memref<819200x128xf32, #tpu.memory_space<hbm>> -> memref<128x64xf32, #tpu.memory_space<hbm>>
      %dma_start3A_406 = arith.constant 0 : i32
      %dma_start3A_407 = arith.constant 0 : i32
      %dma_start3A_408 = tpu.memref_slice %arg6[%dma_start3A_394, %dma_start3A_406, %dma_start3A_407] : memref<10x128x64xf32, #tpu.memory_space<vmem>> -> memref<1x128x64xf32, #tpu.memory_space<vmem>>
      %dma_start3A_409 = tpu.memref_squeeze %dma_start3A_408 : memref<1x128x64xf32, #tpu.memory_space<vmem>> -> memref<128x64xf32, #tpu.memory_space<vmem>>
      tpu.enqueue_dma source(%dma_start3A_409 : memref<128x64xf32, #tpu.memory_space<vmem>>) target(%dma_start3A_405 : memref<128x64xf32, #tpu.memory_space<hbm>>) target_semaphore(%dma_start3A_403 : memref<!tpu.dma_semaphore, #tpu.memory_space<semaphore_mem>>)
      %dma_wait3A_410 = arith.constant 4 : i32
      %dma_wait3A_411 = arith.constant 4 : i32
      %dma_wait3A_412 = arith.constant 0 : i32
      %dma_wait3A_413 = arith.constant 0 : i32
      %dma_wait3A_414 = tpu.memref_slice %arg6[%dma_wait3A_410, %dma_wait3A_412, %dma_wait3A_413] : memref<10x128x64xf32, #tpu.memory_space<vmem>> -> memref<1x128x64xf32, #tpu.memory_space<vmem>>
      %dma_wait3A_415 = tpu.memref_squeeze %dma_wait3A_414 : memref<1x128x64xf32, #tpu.memory_space<vmem>> -> memref<128x64xf32, #tpu.memory_space<vmem>>
      %dma_wait3A_416 = arith.constant 0 : i32
      %dma_wait3A_417 = arith.constant 0 : i32
      %dma_wait3A_418 = tpu.memref_slice %arg3[%dma_wait3A_416, %dma_wait3A_417] : memref<2000000x64xf32, #tpu.memory_space<hbm>> -> memref<128x64xf32, #tpu.memory_space<hbm>>
      %dma_wait3A_419 = tpu.memref_slice %arg7[%dma_wait3A_411] : memref<10x!tpu.dma_semaphore, #tpu.memory_space<semaphore_mem>> -> memref<1x!tpu.dma_semaphore, #tpu.memory_space<semaphore_mem>>
      %dma_wait3A_420 = tpu.memref_squeeze %dma_wait3A_419 : memref<1x!tpu.dma_semaphore, #tpu.memory_space<semaphore_mem>> -> memref<!tpu.dma_semaphore, #tpu.memory_space<semaphore_mem>>
      %dma_wait3A_421 = arith.constant 0 : i32
      %dma_wait3A_422 = arith.constant 0 : i32
      %dma_wait3A_423 = tpu.memref_slice %arg6[%dma_wait3A_410, %dma_wait3A_421, %dma_wait3A_422] : memref<10x128x64xf32, #tpu.memory_space<vmem>> -> memref<1x128x64xf32, #tpu.memory_space<vmem>>
      %dma_wait3A_424 = tpu.memref_squeeze %dma_wait3A_423 : memref<1x128x64xf32, #tpu.memory_space<vmem>> -> memref<128x64xf32, #tpu.memory_space<vmem>>
      %dma_wait3A_425 = arith.constant 0 : i32
      %dma_wait3A_426 = arith.constant 0 : i32
      %dma_wait3A_427 = tpu.memref_slice %arg3[%dma_wait3A_425, %dma_wait3A_426] : memref<2000000x64xf32, #tpu.memory_space<hbm>> -> memref<128x64xf32, #tpu.memory_space<hbm>>
      tpu.wait_dma2 semaphore(%dma_wait3A_420 : memref<!tpu.dma_semaphore, #tpu.memory_space<semaphore_mem>>) src(%dma_wait3A_427 : memref<128x64xf32, #tpu.memory_space<hbm>>) dst(%dma_wait3A_424 : memref<128x64xf32, #tpu.memory_space<vmem>>)
      %add3A_428 = arith.constant 4 : i32
      %add3A_429 = arith.addi %mul3A_253, %add3A_428 : i32
      %mul3A_430 = arith.constant 128 : i32
      %mul3A_431 = arith.muli %add3A_429, %mul3A_430 : i32
      %add3A_432 = arith.addi %mul3A_2, %mul3A_431 : i32
      %dma_start3A_433 = arith.constant 4 : i32
      %dma_start3A_434 = arith.constant 4 : i32
      %dma_start3A_435 = arith.constant 0 : i32
      %dma_start3A_436 = arith.constant 0 : i32
      %dma_start3A_437 = tpu.memref_slice %arg6[%dma_start3A_433, %dma_start3A_435, %dma_start3A_436] : memref<10x128x64xf32, #tpu.memory_space<vmem>> -> memref<1x128x64xf32, #tpu.memory_space<vmem>>
      %dma_start3A_438 = tpu.memref_squeeze %dma_start3A_437 : memref<1x128x64xf32, #tpu.memory_space<vmem>> -> memref<128x64xf32, #tpu.memory_space<vmem>>
      %dma_start3A_439 = arith.constant 0 : i32
      %dma_start3A_440 = tpu.memref_slice %arg4[%add3A_432, %dma_start3A_439] : memref<819200x128xf32, #tpu.memory_space<hbm>> -> memref<128x64xf32, #tpu.memory_space<hbm>>
      %dma_start3A_441 = tpu.memref_slice %arg8[%dma_start3A_434] : memref<10x!tpu.dma_semaphore, #tpu.memory_space<semaphore_mem>> -> memref<1x!tpu.dma_semaphore, #tpu.memory_space<semaphore_mem>>
      %dma_start3A_442 = tpu.memref_squeeze %dma_start3A_441 : memref<1x!tpu.dma_semaphore, #tpu.memory_space<semaphore_mem>> -> memref<!tpu.dma_semaphore, #tpu.memory_space<semaphore_mem>>
      %dma_start3A_443 = arith.constant 0 : i32
      %dma_start3A_444 = tpu.memref_slice %arg4[%add3A_432, %dma_start3A_443] : memref<819200x128xf32, #tpu.memory_space<hbm>> -> memref<128x64xf32, #tpu.memory_space<hbm>>
      %dma_start3A_445 = arith.constant 0 : i32
      %dma_start3A_446 = arith.constant 0 : i32
      %dma_start3A_447 = tpu.memref_slice %arg6[%dma_start3A_433, %dma_start3A_445, %dma_start3A_446] : memref<10x128x64xf32, #tpu.memory_space<vmem>> -> memref<1x128x64xf32, #tpu.memory_space<vmem>>
      %dma_start3A_448 = tpu.memref_squeeze %dma_start3A_447 : memref<1x128x64xf32, #tpu.memory_space<vmem>> -> memref<128x64xf32, #tpu.memory_space<vmem>>
      tpu.enqueue_dma source(%dma_start3A_448 : memref<128x64xf32, #tpu.memory_space<vmem>>) target(%dma_start3A_444 : memref<128x64xf32, #tpu.memory_space<hbm>>) target_semaphore(%dma_start3A_442 : memref<!tpu.dma_semaphore, #tpu.memory_space<semaphore_mem>>)
      %gt3A = arith.constant 0 : i32
      %gt3A_449 = arith.cmpi sgt, %scan3A_251, %gt3A : i32
      %convert_element_type3A = arith.extui %gt3A_449 : i1 to i32
      %cond3A = arith.constant 0 : i32
      %cond3A_450 = arith.cmpi ne, %convert_element_type3A, %cond3A : i32
      scf.if %cond3A_450 {
        %dma_wait3A_790 = arith.constant 5 : i32
        %dma_wait3A_791 = arith.constant 5 : i32
        %dma_wait3A_792 = arith.constant 0 : i32
        %dma_wait3A_793 = arith.constant 0 : i32
        %dma_wait3A_794 = tpu.memref_slice %arg6[%dma_wait3A_790, %dma_wait3A_792, %dma_wait3A_793] : memref<10x128x64xf32, #tpu.memory_space<vmem>> -> memref<1x128x64xf32, #tpu.memory_space<vmem>>
        %dma_wait3A_795 = tpu.memref_squeeze %dma_wait3A_794 : memref<1x128x64xf32, #tpu.memory_space<vmem>> -> memref<128x64xf32, #tpu.memory_space<vmem>>
        %dma_wait3A_796 = arith.constant 0 : i32
        %dma_wait3A_797 = arith.constant 0 : i32
        %dma_wait3A_798 = tpu.memref_slice %arg4[%dma_wait3A_796, %dma_wait3A_797] : memref<819200x128xf32, #tpu.memory_space<hbm>> -> memref<128x64xf32, #tpu.memory_space<hbm>>
        %dma_wait3A_799 = tpu.memref_slice %arg8[%dma_wait3A_791] : memref<10x!tpu.dma_semaphore, #tpu.memory_space<semaphore_mem>> -> memref<1x!tpu.dma_semaphore, #tpu.memory_space<semaphore_mem>>
        %dma_wait3A_800 = tpu.memref_squeeze %dma_wait3A_799 : memref<1x!tpu.dma_semaphore, #tpu.memory_space<semaphore_mem>> -> memref<!tpu.dma_semaphore, #tpu.memory_space<semaphore_mem>>
        %dma_wait3A_801 = arith.constant 0 : i32
        %dma_wait3A_802 = arith.constant 0 : i32
        %dma_wait3A_803 = tpu.memref_slice %arg6[%dma_wait3A_790, %dma_wait3A_801, %dma_wait3A_802] : memref<10x128x64xf32, #tpu.memory_space<vmem>> -> memref<1x128x64xf32, #tpu.memory_space<vmem>>
        %dma_wait3A_804 = tpu.memref_squeeze %dma_wait3A_803 : memref<1x128x64xf32, #tpu.memory_space<vmem>> -> memref<128x64xf32, #tpu.memory_space<vmem>>
        %dma_wait3A_805 = arith.constant 0 : i32
        %dma_wait3A_806 = arith.constant 0 : i32
        %dma_wait3A_807 = tpu.memref_slice %arg4[%dma_wait3A_805, %dma_wait3A_806] : memref<819200x128xf32, #tpu.memory_space<hbm>> -> memref<128x64xf32, #tpu.memory_space<hbm>>
        tpu.wait_dma2 semaphore(%dma_wait3A_800 : memref<!tpu.dma_semaphore, #tpu.memory_space<semaphore_mem>>) src(%dma_wait3A_807 : memref<128x64xf32, #tpu.memory_space<hbm>>) dst(%dma_wait3A_804 : memref<128x64xf32, #tpu.memory_space<vmem>>)
      } else {
      }
      %add3A_451 = arith.constant 5 : i32
      %add3A_452 = arith.addi %mul3A_253, %add3A_451 : i32
      %add3A_453 = arith.constant 0 : i32
      %add3A_454 = arith.addi %add3A_452, %add3A_453 : i32
      %mul3A_455 = arith.constant 128 : i32
      %mul3A_456 = arith.muli %add3A_454, %mul3A_455 : i32
      %dma_start3A_457 = arith.constant 5 : i32
      %dma_start3A_458 = arith.constant 5 : i32
      %dma_start3A_459 = arith.constant 0 : i32
      %dma_start3A_460 = arith.constant 0 : i32
      %dma_start3A_461 = tpu.memref_slice %arg6[%dma_start3A_457, %dma_start3A_459, %dma_start3A_460] : memref<10x128x64xf32, #tpu.memory_space<vmem>> -> memref<1x128x64xf32, #tpu.memory_space<vmem>>
      %dma_start3A_462 = tpu.memref_squeeze %dma_start3A_461 : memref<1x128x64xf32, #tpu.memory_space<vmem>> -> memref<128x64xf32, #tpu.memory_space<vmem>>
      %dma_start3A_463 = tpu.memref_slice %arg5[%mul3A_456] : memref<25600xi32, #tpu.memory_space<vmem>> -> memref<128xi32, #tpu.memory_space<vmem>>
      %dma_start3A_464 = arith.constant 0 : i32
      %dma_start3A_465 = arith.constant 0 : i32
      %dma_start3A_466 = tpu.memref_slice %arg3[%dma_start3A_464, %dma_start3A_465] : memref<2000000x64xf32, #tpu.memory_space<hbm>> -> memref<2000000x64xf32, #tpu.memory_space<hbm>>
      %dma_start3A_467 = tpu.memref_slice %arg7[%dma_start3A_458] : memref<10x!tpu.dma_semaphore, #tpu.memory_space<semaphore_mem>> -> memref<1x!tpu.dma_semaphore, #tpu.memory_space<semaphore_mem>>
      %dma_start3A_468 = tpu.memref_squeeze %dma_start3A_467 : memref<1x!tpu.dma_semaphore, #tpu.memory_space<semaphore_mem>> -> memref<!tpu.dma_semaphore, #tpu.memory_space<semaphore_mem>>
      tpu.enqueue_indirect_dma source(%dma_start3A_466 : memref<2000000x64xf32, #tpu.memory_space<hbm>>) target(%dma_start3A_462 : memref<128x64xf32, #tpu.memory_space<vmem>>) offsets(%dma_start3A_463 : memref<128xi32, #tpu.memory_space<vmem>>) semaphore(%dma_start3A_468 : memref<!tpu.dma_semaphore, #tpu.memory_space<semaphore_mem>>)
      %gt3A_469 = arith.constant 0 : i32
      %gt3A_470 = arith.cmpi sgt, %scan3A_251, %gt3A_469 : i32
      %convert_element_type3A_471 = arith.extui %gt3A_470 : i1 to i32
      %cond3A_472 = arith.constant 0 : i32
      %cond3A_473 = arith.cmpi ne, %convert_element_type3A_471, %cond3A_472 : i32
      scf.if %cond3A_473 {
        %dma_wait3A_790 = arith.constant 6 : i32
        %dma_wait3A_791 = arith.constant 6 : i32
        %dma_wait3A_792 = arith.constant 0 : i32
        %dma_wait3A_793 = arith.constant 0 : i32
        %dma_wait3A_794 = tpu.memref_slice %arg6[%dma_wait3A_790, %dma_wait3A_792, %dma_wait3A_793] : memref<10x128x64xf32, #tpu.memory_space<vmem>> -> memref<1x128x64xf32, #tpu.memory_space<vmem>>
        %dma_wait3A_795 = tpu.memref_squeeze %dma_wait3A_794 : memref<1x128x64xf32, #tpu.memory_space<vmem>> -> memref<128x64xf32, #tpu.memory_space<vmem>>
        %dma_wait3A_796 = arith.constant 0 : i32
        %dma_wait3A_797 = arith.constant 0 : i32
        %dma_wait3A_798 = tpu.memref_slice %arg4[%dma_wait3A_796, %dma_wait3A_797] : memref<819200x128xf32, #tpu.memory_space<hbm>> -> memref<128x64xf32, #tpu.memory_space<hbm>>
        %dma_wait3A_799 = tpu.memref_slice %arg8[%dma_wait3A_791] : memref<10x!tpu.dma_semaphore, #tpu.memory_space<semaphore_mem>> -> memref<1x!tpu.dma_semaphore, #tpu.memory_space<semaphore_mem>>
        %dma_wait3A_800 = tpu.memref_squeeze %dma_wait3A_799 : memref<1x!tpu.dma_semaphore, #tpu.memory_space<semaphore_mem>> -> memref<!tpu.dma_semaphore, #tpu.memory_space<semaphore_mem>>
        %dma_wait3A_801 = arith.constant 0 : i32
        %dma_wait3A_802 = arith.constant 0 : i32
        %dma_wait3A_803 = tpu.memref_slice %arg6[%dma_wait3A_790, %dma_wait3A_801, %dma_wait3A_802] : memref<10x128x64xf32, #tpu.memory_space<vmem>> -> memref<1x128x64xf32, #tpu.memory_space<vmem>>
        %dma_wait3A_804 = tpu.memref_squeeze %dma_wait3A_803 : memref<1x128x64xf32, #tpu.memory_space<vmem>> -> memref<128x64xf32, #tpu.memory_space<vmem>>
        %dma_wait3A_805 = arith.constant 0 : i32
        %dma_wait3A_806 = arith.constant 0 : i32
        %dma_wait3A_807 = tpu.memref_slice %arg4[%dma_wait3A_805, %dma_wait3A_806] : memref<819200x128xf32, #tpu.memory_space<hbm>> -> memref<128x64xf32, #tpu.memory_space<hbm>>
        tpu.wait_dma2 semaphore(%dma_wait3A_800 : memref<!tpu.dma_semaphore, #tpu.memory_space<semaphore_mem>>) src(%dma_wait3A_807 : memref<128x64xf32, #tpu.memory_space<hbm>>) dst(%dma_wait3A_804 : memref<128x64xf32, #tpu.memory_space<vmem>>)
      } else {
      }
      %add3A_474 = arith.constant 5 : i32
      %add3A_475 = arith.addi %mul3A_253, %add3A_474 : i32
      %add3A_476 = arith.constant 1 : i32
      %add3A_477 = arith.addi %add3A_475, %add3A_476 : i32
      %mul3A_478 = arith.constant 128 : i32
      %mul3A_479 = arith.muli %add3A_477, %mul3A_478 : i32
      %dma_start3A_480 = arith.constant 6 : i32
      %dma_start3A_481 = arith.constant 6 : i32
      %dma_start3A_482 = arith.constant 0 : i32
      %dma_start3A_483 = arith.constant 0 : i32
      %dma_start3A_484 = tpu.memref_slice %arg6[%dma_start3A_480, %dma_start3A_482, %dma_start3A_483] : memref<10x128x64xf32, #tpu.memory_space<vmem>> -> memref<1x128x64xf32, #tpu.memory_space<vmem>>
      %dma_start3A_485 = tpu.memref_squeeze %dma_start3A_484 : memref<1x128x64xf32, #tpu.memory_space<vmem>> -> memref<128x64xf32, #tpu.memory_space<vmem>>
      %dma_start3A_486 = tpu.memref_slice %arg5[%mul3A_479] : memref<25600xi32, #tpu.memory_space<vmem>> -> memref<128xi32, #tpu.memory_space<vmem>>
      %dma_start3A_487 = arith.constant 0 : i32
      %dma_start3A_488 = arith.constant 0 : i32
      %dma_start3A_489 = tpu.memref_slice %arg3[%dma_start3A_487, %dma_start3A_488] : memref<2000000x64xf32, #tpu.memory_space<hbm>> -> memref<2000000x64xf32, #tpu.memory_space<hbm>>
      %dma_start3A_490 = tpu.memref_slice %arg7[%dma_start3A_481] : memref<10x!tpu.dma_semaphore, #tpu.memory_space<semaphore_mem>> -> memref<1x!tpu.dma_semaphore, #tpu.memory_space<semaphore_mem>>
      %dma_start3A_491 = tpu.memref_squeeze %dma_start3A_490 : memref<1x!tpu.dma_semaphore, #tpu.memory_space<semaphore_mem>> -> memref<!tpu.dma_semaphore, #tpu.memory_space<semaphore_mem>>
      tpu.enqueue_indirect_dma source(%dma_start3A_489 : memref<2000000x64xf32, #tpu.memory_space<hbm>>) target(%dma_start3A_485 : memref<128x64xf32, #tpu.memory_space<vmem>>) offsets(%dma_start3A_486 : memref<128xi32, #tpu.memory_space<vmem>>) semaphore(%dma_start3A_491 : memref<!tpu.dma_semaphore, #tpu.memory_space<semaphore_mem>>)
      %gt3A_492 = arith.constant 0 : i32
      %gt3A_493 = arith.cmpi sgt, %scan3A_251, %gt3A_492 : i32
      %convert_element_type3A_494 = arith.extui %gt3A_493 : i1 to i32
      %cond3A_495 = arith.constant 0 : i32
      %cond3A_496 = arith.cmpi ne, %convert_element_type3A_494, %cond3A_495 : i32
      scf.if %cond3A_496 {
        %dma_wait3A_790 = arith.constant 7 : i32
        %dma_wait3A_791 = arith.constant 7 : i32
        %dma_wait3A_792 = arith.constant 0 : i32
        %dma_wait3A_793 = arith.constant 0 : i32
        %dma_wait3A_794 = tpu.memref_slice %arg6[%dma_wait3A_790, %dma_wait3A_792, %dma_wait3A_793] : memref<10x128x64xf32, #tpu.memory_space<vmem>> -> memref<1x128x64xf32, #tpu.memory_space<vmem>>
        %dma_wait3A_795 = tpu.memref_squeeze %dma_wait3A_794 : memref<1x128x64xf32, #tpu.memory_space<vmem>> -> memref<128x64xf32, #tpu.memory_space<vmem>>
        %dma_wait3A_796 = arith.constant 0 : i32
        %dma_wait3A_797 = arith.constant 0 : i32
        %dma_wait3A_798 = tpu.memref_slice %arg4[%dma_wait3A_796, %dma_wait3A_797] : memref<819200x128xf32, #tpu.memory_space<hbm>> -> memref<128x64xf32, #tpu.memory_space<hbm>>
        %dma_wait3A_799 = tpu.memref_slice %arg8[%dma_wait3A_791] : memref<10x!tpu.dma_semaphore, #tpu.memory_space<semaphore_mem>> -> memref<1x!tpu.dma_semaphore, #tpu.memory_space<semaphore_mem>>
        %dma_wait3A_800 = tpu.memref_squeeze %dma_wait3A_799 : memref<1x!tpu.dma_semaphore, #tpu.memory_space<semaphore_mem>> -> memref<!tpu.dma_semaphore, #tpu.memory_space<semaphore_mem>>
        %dma_wait3A_801 = arith.constant 0 : i32
        %dma_wait3A_802 = arith.constant 0 : i32
        %dma_wait3A_803 = tpu.memref_slice %arg6[%dma_wait3A_790, %dma_wait3A_801, %dma_wait3A_802] : memref<10x128x64xf32, #tpu.memory_space<vmem>> -> memref<1x128x64xf32, #tpu.memory_space<vmem>>
        %dma_wait3A_804 = tpu.memref_squeeze %dma_wait3A_803 : memref<1x128x64xf32, #tpu.memory_space<vmem>> -> memref<128x64xf32, #tpu.memory_space<vmem>>
        %dma_wait3A_805 = arith.constant 0 : i32
        %dma_wait3A_806 = arith.constant 0 : i32
        %dma_wait3A_807 = tpu.memref_slice %arg4[%dma_wait3A_805, %dma_wait3A_806] : memref<819200x128xf32, #tpu.memory_space<hbm>> -> memref<128x64xf32, #tpu.memory_space<hbm>>
        tpu.wait_dma2 semaphore(%dma_wait3A_800 : memref<!tpu.dma_semaphore, #tpu.memory_space<semaphore_mem>>) src(%dma_wait3A_807 : memref<128x64xf32, #tpu.memory_space<hbm>>) dst(%dma_wait3A_804 : memref<128x64xf32, #tpu.memory_space<vmem>>)
      } else {
      }
      %add3A_497 = arith.constant 5 : i32
      %add3A_498 = arith.addi %mul3A_253, %add3A_497 : i32
      %add3A_499 = arith.constant 2 : i32
      %add3A_500 = arith.addi %add3A_498, %add3A_499 : i32
      %mul3A_501 = arith.constant 128 : i32
      %mul3A_502 = arith.muli %add3A_500, %mul3A_501 : i32
      %dma_start3A_503 = arith.constant 7 : i32
      %dma_start3A_504 = arith.constant 7 : i32
      %dma_start3A_505 = arith.constant 0 : i32
      %dma_start3A_506 = arith.constant 0 : i32
      %dma_start3A_507 = tpu.memref_slice %arg6[%dma_start3A_503, %dma_start3A_505, %dma_start3A_506] : memref<10x128x64xf32, #tpu.memory_space<vmem>> -> memref<1x128x64xf32, #tpu.memory_space<vmem>>
      %dma_start3A_508 = tpu.memref_squeeze %dma_start3A_507 : memref<1x128x64xf32, #tpu.memory_space<vmem>> -> memref<128x64xf32, #tpu.memory_space<vmem>>
      %dma_start3A_509 = tpu.memref_slice %arg5[%mul3A_502] : memref<25600xi32, #tpu.memory_space<vmem>> -> memref<128xi32, #tpu.memory_space<vmem>>
      %dma_start3A_510 = arith.constant 0 : i32
      %dma_start3A_511 = arith.constant 0 : i32
      %dma_start3A_512 = tpu.memref_slice %arg3[%dma_start3A_510, %dma_start3A_511] : memref<2000000x64xf32, #tpu.memory_space<hbm>> -> memref<2000000x64xf32, #tpu.memory_space<hbm>>
      %dma_start3A_513 = tpu.memref_slice %arg7[%dma_start3A_504] : memref<10x!tpu.dma_semaphore, #tpu.memory_space<semaphore_mem>> -> memref<1x!tpu.dma_semaphore, #tpu.memory_space<semaphore_mem>>
      %dma_start3A_514 = tpu.memref_squeeze %dma_start3A_513 : memref<1x!tpu.dma_semaphore, #tpu.memory_space<semaphore_mem>> -> memref<!tpu.dma_semaphore, #tpu.memory_space<semaphore_mem>>
      tpu.enqueue_indirect_dma source(%dma_start3A_512 : memref<2000000x64xf32, #tpu.memory_space<hbm>>) target(%dma_start3A_508 : memref<128x64xf32, #tpu.memory_space<vmem>>) offsets(%dma_start3A_509 : memref<128xi32, #tpu.memory_space<vmem>>) semaphore(%dma_start3A_514 : memref<!tpu.dma_semaphore, #tpu.memory_space<semaphore_mem>>)
      %gt3A_515 = arith.constant 0 : i32
      %gt3A_516 = arith.cmpi sgt, %scan3A_251, %gt3A_515 : i32
      %convert_element_type3A_517 = arith.extui %gt3A_516 : i1 to i32
      %cond3A_518 = arith.constant 0 : i32
      %cond3A_519 = arith.cmpi ne, %convert_element_type3A_517, %cond3A_518 : i32
      scf.if %cond3A_519 {
        %dma_wait3A_790 = arith.constant 8 : i32
        %dma_wait3A_791 = arith.constant 8 : i32
        %dma_wait3A_792 = arith.constant 0 : i32
        %dma_wait3A_793 = arith.constant 0 : i32
        %dma_wait3A_794 = tpu.memref_slice %arg6[%dma_wait3A_790, %dma_wait3A_792, %dma_wait3A_793] : memref<10x128x64xf32, #tpu.memory_space<vmem>> -> memref<1x128x64xf32, #tpu.memory_space<vmem>>
        %dma_wait3A_795 = tpu.memref_squeeze %dma_wait3A_794 : memref<1x128x64xf32, #tpu.memory_space<vmem>> -> memref<128x64xf32, #tpu.memory_space<vmem>>
        %dma_wait3A_796 = arith.constant 0 : i32
        %dma_wait3A_797 = arith.constant 0 : i32
        %dma_wait3A_798 = tpu.memref_slice %arg4[%dma_wait3A_796, %dma_wait3A_797] : memref<819200x128xf32, #tpu.memory_space<hbm>> -> memref<128x64xf32, #tpu.memory_space<hbm>>
        %dma_wait3A_799 = tpu.memref_slice %arg8[%dma_wait3A_791] : memref<10x!tpu.dma_semaphore, #tpu.memory_space<semaphore_mem>> -> memref<1x!tpu.dma_semaphore, #tpu.memory_space<semaphore_mem>>
        %dma_wait3A_800 = tpu.memref_squeeze %dma_wait3A_799 : memref<1x!tpu.dma_semaphore, #tpu.memory_space<semaphore_mem>> -> memref<!tpu.dma_semaphore, #tpu.memory_space<semaphore_mem>>
        %dma_wait3A_801 = arith.constant 0 : i32
        %dma_wait3A_802 = arith.constant 0 : i32
        %dma_wait3A_803 = tpu.memref_slice %arg6[%dma_wait3A_790, %dma_wait3A_801, %dma_wait3A_802] : memref<10x128x64xf32, #tpu.memory_space<vmem>> -> memref<1x128x64xf32, #tpu.memory_space<vmem>>
        %dma_wait3A_804 = tpu.memref_squeeze %dma_wait3A_803 : memref<1x128x64xf32, #tpu.memory_space<vmem>> -> memref<128x64xf32, #tpu.memory_space<vmem>>
        %dma_wait3A_805 = arith.constant 0 : i32
        %dma_wait3A_806 = arith.constant 0 : i32
        %dma_wait3A_807 = tpu.memref_slice %arg4[%dma_wait3A_805, %dma_wait3A_806] : memref<819200x128xf32, #tpu.memory_space<hbm>> -> memref<128x64xf32, #tpu.memory_space<hbm>>
        tpu.wait_dma2 semaphore(%dma_wait3A_800 : memref<!tpu.dma_semaphore, #tpu.memory_space<semaphore_mem>>) src(%dma_wait3A_807 : memref<128x64xf32, #tpu.memory_space<hbm>>) dst(%dma_wait3A_804 : memref<128x64xf32, #tpu.memory_space<vmem>>)
      } else {
      }
      %add3A_520 = arith.constant 5 : i32
      %add3A_521 = arith.addi %mul3A_253, %add3A_520 : i32
      %add3A_522 = arith.constant 3 : i32
      %add3A_523 = arith.addi %add3A_521, %add3A_522 : i32
      %mul3A_524 = arith.constant 128 : i32
      %mul3A_525 = arith.muli %add3A_523, %mul3A_524 : i32
      %dma_start3A_526 = arith.constant 8 : i32
      %dma_start3A_527 = arith.constant 8 : i32
      %dma_start3A_528 = arith.constant 0 : i32
      %dma_start3A_529 = arith.constant 0 : i32
      %dma_start3A_530 = tpu.memref_slice %arg6[%dma_start3A_526, %dma_start3A_528, %dma_start3A_529] : memref<10x128x64xf32, #tpu.memory_space<vmem>> -> memref<1x128x64xf32, #tpu.memory_space<vmem>>
      %dma_start3A_531 = tpu.memref_squeeze %dma_start3A_530 : memref<1x128x64xf32, #tpu.memory_space<vmem>> -> memref<128x64xf32, #tpu.memory_space<vmem>>
      %dma_start3A_532 = tpu.memref_slice %arg5[%mul3A_525] : memref<25600xi32, #tpu.memory_space<vmem>> -> memref<128xi32, #tpu.memory_space<vmem>>
      %dma_start3A_533 = arith.constant 0 : i32
      %dma_start3A_534 = arith.constant 0 : i32
      %dma_start3A_535 = tpu.memref_slice %arg3[%dma_start3A_533, %dma_start3A_534] : memref<2000000x64xf32, #tpu.memory_space<hbm>> -> memref<2000000x64xf32, #tpu.memory_space<hbm>>
      %dma_start3A_536 = tpu.memref_slice %arg7[%dma_start3A_527] : memref<10x!tpu.dma_semaphore, #tpu.memory_space<semaphore_mem>> -> memref<1x!tpu.dma_semaphore, #tpu.memory_space<semaphore_mem>>
      %dma_start3A_537 = tpu.memref_squeeze %dma_start3A_536 : memref<1x!tpu.dma_semaphore, #tpu.memory_space<semaphore_mem>> -> memref<!tpu.dma_semaphore, #tpu.memory_space<semaphore_mem>>
      tpu.enqueue_indirect_dma source(%dma_start3A_535 : memref<2000000x64xf32, #tpu.memory_space<hbm>>) target(%dma_start3A_531 : memref<128x64xf32, #tpu.memory_space<vmem>>) offsets(%dma_start3A_532 : memref<128xi32, #tpu.memory_space<vmem>>) semaphore(%dma_start3A_537 : memref<!tpu.dma_semaphore, #tpu.memory_space<semaphore_mem>>)
      %gt3A_538 = arith.constant 0 : i32
      %gt3A_539 = arith.cmpi sgt, %scan3A_251, %gt3A_538 : i32
      %convert_element_type3A_540 = arith.extui %gt3A_539 : i1 to i32
      %cond3A_541 = arith.constant 0 : i32
      %cond3A_542 = arith.cmpi ne, %convert_element_type3A_540, %cond3A_541 : i32
      scf.if %cond3A_542 {
        %dma_wait3A_790 = arith.constant 9 : i32
        %dma_wait3A_791 = arith.constant 9 : i32
        %dma_wait3A_792 = arith.constant 0 : i32
        %dma_wait3A_793 = arith.constant 0 : i32
        %dma_wait3A_794 = tpu.memref_slice %arg6[%dma_wait3A_790, %dma_wait3A_792, %dma_wait3A_793] : memref<10x128x64xf32, #tpu.memory_space<vmem>> -> memref<1x128x64xf32, #tpu.memory_space<vmem>>
        %dma_wait3A_795 = tpu.memref_squeeze %dma_wait3A_794 : memref<1x128x64xf32, #tpu.memory_space<vmem>> -> memref<128x64xf32, #tpu.memory_space<vmem>>
        %dma_wait3A_796 = arith.constant 0 : i32
        %dma_wait3A_797 = arith.constant 0 : i32
        %dma_wait3A_798 = tpu.memref_slice %arg4[%dma_wait3A_796, %dma_wait3A_797] : memref<819200x128xf32, #tpu.memory_space<hbm>> -> memref<128x64xf32, #tpu.memory_space<hbm>>
        %dma_wait3A_799 = tpu.memref_slice %arg8[%dma_wait3A_791] : memref<10x!tpu.dma_semaphore, #tpu.memory_space<semaphore_mem>> -> memref<1x!tpu.dma_semaphore, #tpu.memory_space<semaphore_mem>>
        %dma_wait3A_800 = tpu.memref_squeeze %dma_wait3A_799 : memref<1x!tpu.dma_semaphore, #tpu.memory_space<semaphore_mem>> -> memref<!tpu.dma_semaphore, #tpu.memory_space<semaphore_mem>>
        %dma_wait3A_801 = arith.constant 0 : i32
        %dma_wait3A_802 = arith.constant 0 : i32
        %dma_wait3A_803 = tpu.memref_slice %arg6[%dma_wait3A_790, %dma_wait3A_801, %dma_wait3A_802] : memref<10x128x64xf32, #tpu.memory_space<vmem>> -> memref<1x128x64xf32, #tpu.memory_space<vmem>>
        %dma_wait3A_804 = tpu.memref_squeeze %dma_wait3A_803 : memref<1x128x64xf32, #tpu.memory_space<vmem>> -> memref<128x64xf32, #tpu.memory_space<vmem>>
        %dma_wait3A_805 = arith.constant 0 : i32
        %dma_wait3A_806 = arith.constant 0 : i32
        %dma_wait3A_807 = tpu.memref_slice %arg4[%dma_wait3A_805, %dma_wait3A_806] : memref<819200x128xf32, #tpu.memory_space<hbm>> -> memref<128x64xf32, #tpu.memory_space<hbm>>
        tpu.wait_dma2 semaphore(%dma_wait3A_800 : memref<!tpu.dma_semaphore, #tpu.memory_space<semaphore_mem>>) src(%dma_wait3A_807 : memref<128x64xf32, #tpu.memory_space<hbm>>) dst(%dma_wait3A_804 : memref<128x64xf32, #tpu.memory_space<vmem>>)
      } else {
      }
      %add3A_543 = arith.constant 5 : i32
      %add3A_544 = arith.addi %mul3A_253, %add3A_543 : i32
      %add3A_545 = arith.constant 4 : i32
      %add3A_546 = arith.addi %add3A_544, %add3A_545 : i32
      %mul3A_547 = arith.constant 128 : i32
      %mul3A_548 = arith.muli %add3A_546, %mul3A_547 : i32
      %dma_start3A_549 = arith.constant 9 : i32
      %dma_start3A_550 = arith.constant 9 : i32
      %dma_start3A_551 = arith.constant 0 : i32
      %dma_start3A_552 = arith.constant 0 : i32
      %dma_start3A_553 = tpu.memref_slice %arg6[%dma_start3A_549, %dma_start3A_551, %dma_start3A_552] : memref<10x128x64xf32, #tpu.memory_space<vmem>> -> memref<1x128x64xf32, #tpu.memory_space<vmem>>
      %dma_start3A_554 = tpu.memref_squeeze %dma_start3A_553 : memref<1x128x64xf32, #tpu.memory_space<vmem>> -> memref<128x64xf32, #tpu.memory_space<vmem>>
      %dma_start3A_555 = tpu.memref_slice %arg5[%mul3A_548] : memref<25600xi32, #tpu.memory_space<vmem>> -> memref<128xi32, #tpu.memory_space<vmem>>
      %dma_start3A_556 = arith.constant 0 : i32
      %dma_start3A_557 = arith.constant 0 : i32
      %dma_start3A_558 = tpu.memref_slice %arg3[%dma_start3A_556, %dma_start3A_557] : memref<2000000x64xf32, #tpu.memory_space<hbm>> -> memref<2000000x64xf32, #tpu.memory_space<hbm>>
      %dma_start3A_559 = tpu.memref_slice %arg7[%dma_start3A_550] : memref<10x!tpu.dma_semaphore, #tpu.memory_space<semaphore_mem>> -> memref<1x!tpu.dma_semaphore, #tpu.memory_space<semaphore_mem>>
      %dma_start3A_560 = tpu.memref_squeeze %dma_start3A_559 : memref<1x!tpu.dma_semaphore, #tpu.memory_space<semaphore_mem>> -> memref<!tpu.dma_semaphore, #tpu.memory_space<semaphore_mem>>
      tpu.enqueue_indirect_dma source(%dma_start3A_558 : memref<2000000x64xf32, #tpu.memory_space<hbm>>) target(%dma_start3A_554 : memref<128x64xf32, #tpu.memory_space<vmem>>) offsets(%dma_start3A_555 : memref<128xi32, #tpu.memory_space<vmem>>) semaphore(%dma_start3A_560 : memref<!tpu.dma_semaphore, #tpu.memory_space<semaphore_mem>>)
      %dma_wait3A_561 = arith.constant 5 : i32
      %dma_wait3A_562 = arith.constant 5 : i32
      %dma_wait3A_563 = arith.constant 0 : i32
      %dma_wait3A_564 = arith.constant 0 : i32
      %dma_wait3A_565 = tpu.memref_slice %arg6[%dma_wait3A_561, %dma_wait3A_563, %dma_wait3A_564] : memref<10x128x64xf32, #tpu.memory_space<vmem>> -> memref<1x128x64xf32, #tpu.memory_space<vmem>>
      %dma_wait3A_566 = tpu.memref_squeeze %dma_wait3A_565 : memref<1x128x64xf32, #tpu.memory_space<vmem>> -> memref<128x64xf32, #tpu.memory_space<vmem>>
      %dma_wait3A_567 = arith.constant 0 : i32
      %dma_wait3A_568 = arith.constant 0 : i32
      %dma_wait3A_569 = tpu.memref_slice %arg3[%dma_wait3A_567, %dma_wait3A_568] : memref<2000000x64xf32, #tpu.memory_space<hbm>> -> memref<128x64xf32, #tpu.memory_space<hbm>>
      %dma_wait3A_570 = tpu.memref_slice %arg7[%dma_wait3A_562] : memref<10x!tpu.dma_semaphore, #tpu.memory_space<semaphore_mem>> -> memref<1x!tpu.dma_semaphore, #tpu.memory_space<semaphore_mem>>
      %dma_wait3A_571 = tpu.memref_squeeze %dma_wait3A_570 : memref<1x!tpu.dma_semaphore, #tpu.memory_space<semaphore_mem>> -> memref<!tpu.dma_semaphore, #tpu.memory_space<semaphore_mem>>
      %dma_wait3A_572 = arith.constant 0 : i32
      %dma_wait3A_573 = arith.constant 0 : i32
      %dma_wait3A_574 = tpu.memref_slice %arg6[%dma_wait3A_561, %dma_wait3A_572, %dma_wait3A_573] : memref<10x128x64xf32, #tpu.memory_space<vmem>> -> memref<1x128x64xf32, #tpu.memory_space<vmem>>
      %dma_wait3A_575 = tpu.memref_squeeze %dma_wait3A_574 : memref<1x128x64xf32, #tpu.memory_space<vmem>> -> memref<128x64xf32, #tpu.memory_space<vmem>>
      %dma_wait3A_576 = arith.constant 0 : i32
      %dma_wait3A_577 = arith.constant 0 : i32
      %dma_wait3A_578 = tpu.memref_slice %arg3[%dma_wait3A_576, %dma_wait3A_577] : memref<2000000x64xf32, #tpu.memory_space<hbm>> -> memref<128x64xf32, #tpu.memory_space<hbm>>
      tpu.wait_dma2 semaphore(%dma_wait3A_571 : memref<!tpu.dma_semaphore, #tpu.memory_space<semaphore_mem>>) src(%dma_wait3A_578 : memref<128x64xf32, #tpu.memory_space<hbm>>) dst(%dma_wait3A_575 : memref<128x64xf32, #tpu.memory_space<vmem>>)
      %add3A_579 = arith.constant 5 : i32
      %add3A_580 = arith.addi %mul3A_253, %add3A_579 : i32
      %add3A_581 = arith.constant 0 : i32
      %add3A_582 = arith.addi %add3A_580, %add3A_581 : i32
      %mul3A_583 = arith.constant 128 : i32
      %mul3A_584 = arith.muli %add3A_582, %mul3A_583 : i32
      %add3A_585 = arith.addi %mul3A_2, %mul3A_584 : i32
      %dma_start3A_586 = arith.constant 5 : i32
      %dma_start3A_587 = arith.constant 5 : i32
      %dma_start3A_588 = arith.constant 0 : i32
      %dma_start3A_589 = arith.constant 0 : i32
      %dma_start3A_590 = tpu.memref_slice %arg6[%dma_start3A_586, %dma_start3A_588, %dma_start3A_589] : memref<10x128x64xf32, #tpu.memory_space<vmem>> -> memref<1x128x64xf32, #tpu.memory_space<vmem>>
      %dma_start3A_591 = tpu.memref_squeeze %dma_start3A_590 : memref<1x128x64xf32, #tpu.memory_space<vmem>> -> memref<128x64xf32, #tpu.memory_space<vmem>>
      %dma_start3A_592 = arith.constant 0 : i32
      %dma_start3A_593 = tpu.memref_slice %arg4[%add3A_585, %dma_start3A_592] : memref<819200x128xf32, #tpu.memory_space<hbm>> -> memref<128x64xf32, #tpu.memory_space<hbm>>
      %dma_start3A_594 = tpu.memref_slice %arg8[%dma_start3A_587] : memref<10x!tpu.dma_semaphore, #tpu.memory_space<semaphore_mem>> -> memref<1x!tpu.dma_semaphore, #tpu.memory_space<semaphore_mem>>
      %dma_start3A_595 = tpu.memref_squeeze %dma_start3A_594 : memref<1x!tpu.dma_semaphore, #tpu.memory_space<semaphore_mem>> -> memref<!tpu.dma_semaphore, #tpu.memory_space<semaphore_mem>>
      %dma_start3A_596 = arith.constant 0 : i32
      %dma_start3A_597 = tpu.memref_slice %arg4[%add3A_585, %dma_start3A_596] : memref<819200x128xf32, #tpu.memory_space<hbm>> -> memref<128x64xf32, #tpu.memory_space<hbm>>
      %dma_start3A_598 = arith.constant 0 : i32
      %dma_start3A_599 = arith.constant 0 : i32
      %dma_start3A_600 = tpu.memref_slice %arg6[%dma_start3A_586, %dma_start3A_598, %dma_start3A_599] : memref<10x128x64xf32, #tpu.memory_space<vmem>> -> memref<1x128x64xf32, #tpu.memory_space<vmem>>
      %dma_start3A_601 = tpu.memref_squeeze %dma_start3A_600 : memref<1x128x64xf32, #tpu.memory_space<vmem>> -> memref<128x64xf32, #tpu.memory_space<vmem>>
      tpu.enqueue_dma source(%dma_start3A_601 : memref<128x64xf32, #tpu.memory_space<vmem>>) target(%dma_start3A_597 : memref<128x64xf32, #tpu.memory_space<hbm>>) target_semaphore(%dma_start3A_595 : memref<!tpu.dma_semaphore, #tpu.memory_space<semaphore_mem>>)
      %dma_wait3A_602 = arith.constant 6 : i32
      %dma_wait3A_603 = arith.constant 6 : i32
      %dma_wait3A_604 = arith.constant 0 : i32
      %dma_wait3A_605 = arith.constant 0 : i32
      %dma_wait3A_606 = tpu.memref_slice %arg6[%dma_wait3A_602, %dma_wait3A_604, %dma_wait3A_605] : memref<10x128x64xf32, #tpu.memory_space<vmem>> -> memref<1x128x64xf32, #tpu.memory_space<vmem>>
      %dma_wait3A_607 = tpu.memref_squeeze %dma_wait3A_606 : memref<1x128x64xf32, #tpu.memory_space<vmem>> -> memref<128x64xf32, #tpu.memory_space<vmem>>
      %dma_wait3A_608 = arith.constant 0 : i32
      %dma_wait3A_609 = arith.constant 0 : i32
      %dma_wait3A_610 = tpu.memref_slice %arg3[%dma_wait3A_608, %dma_wait3A_609] : memref<2000000x64xf32, #tpu.memory_space<hbm>> -> memref<128x64xf32, #tpu.memory_space<hbm>>
      %dma_wait3A_611 = tpu.memref_slice %arg7[%dma_wait3A_603] : memref<10x!tpu.dma_semaphore, #tpu.memory_space<semaphore_mem>> -> memref<1x!tpu.dma_semaphore, #tpu.memory_space<semaphore_mem>>
      %dma_wait3A_612 = tpu.memref_squeeze %dma_wait3A_611 : memref<1x!tpu.dma_semaphore, #tpu.memory_space<semaphore_mem>> -> memref<!tpu.dma_semaphore, #tpu.memory_space<semaphore_mem>>
      %dma_wait3A_613 = arith.constant 0 : i32
      %dma_wait3A_614 = arith.constant 0 : i32
      %dma_wait3A_615 = tpu.memref_slice %arg6[%dma_wait3A_602, %dma_wait3A_613, %dma_wait3A_614] : memref<10x128x64xf32, #tpu.memory_space<vmem>> -> memref<1x128x64xf32, #tpu.memory_space<vmem>>
      %dma_wait3A_616 = tpu.memref_squeeze %dma_wait3A_615 : memref<1x128x64xf32, #tpu.memory_space<vmem>> -> memref<128x64xf32, #tpu.memory_space<vmem>>
      %dma_wait3A_617 = arith.constant 0 : i32
      %dma_wait3A_618 = arith.constant 0 : i32
      %dma_wait3A_619 = tpu.memref_slice %arg3[%dma_wait3A_617, %dma_wait3A_618] : memref<2000000x64xf32, #tpu.memory_space<hbm>> -> memref<128x64xf32, #tpu.memory_space<hbm>>
      tpu.wait_dma2 semaphore(%dma_wait3A_612 : memref<!tpu.dma_semaphore, #tpu.memory_space<semaphore_mem>>) src(%dma_wait3A_619 : memref<128x64xf32, #tpu.memory_space<hbm>>) dst(%dma_wait3A_616 : memref<128x64xf32, #tpu.memory_space<vmem>>)
      %add3A_620 = arith.constant 5 : i32
      %add3A_621 = arith.addi %mul3A_253, %add3A_620 : i32
      %add3A_622 = arith.constant 1 : i32
      %add3A_623 = arith.addi %add3A_621, %add3A_622 : i32
      %mul3A_624 = arith.constant 128 : i32
      %mul3A_625 = arith.muli %add3A_623, %mul3A_624 : i32
      %add3A_626 = arith.addi %mul3A_2, %mul3A_625 : i32
      %dma_start3A_627 = arith.constant 6 : i32
      %dma_start3A_628 = arith.constant 6 : i32
      %dma_start3A_629 = arith.constant 0 : i32
      %dma_start3A_630 = arith.constant 0 : i32
      %dma_start3A_631 = tpu.memref_slice %arg6[%dma_start3A_627, %dma_start3A_629, %dma_start3A_630] : memref<10x128x64xf32, #tpu.memory_space<vmem>> -> memref<1x128x64xf32, #tpu.memory_space<vmem>>
      %dma_start3A_632 = tpu.memref_squeeze %dma_start3A_631 : memref<1x128x64xf32, #tpu.memory_space<vmem>> -> memref<128x64xf32, #tpu.memory_space<vmem>>
      %dma_start3A_633 = arith.constant 0 : i32
      %dma_start3A_634 = tpu.memref_slice %arg4[%add3A_626, %dma_start3A_633] : memref<819200x128xf32, #tpu.memory_space<hbm>> -> memref<128x64xf32, #tpu.memory_space<hbm>>
      %dma_start3A_635 = tpu.memref_slice %arg8[%dma_start3A_628] : memref<10x!tpu.dma_semaphore, #tpu.memory_space<semaphore_mem>> -> memref<1x!tpu.dma_semaphore, #tpu.memory_space<semaphore_mem>>
      %dma_start3A_636 = tpu.memref_squeeze %dma_start3A_635 : memref<1x!tpu.dma_semaphore, #tpu.memory_space<semaphore_mem>> -> memref<!tpu.dma_semaphore, #tpu.memory_space<semaphore_mem>>
      %dma_start3A_637 = arith.constant 0 : i32
      %dma_start3A_638 = tpu.memref_slice %arg4[%add3A_626, %dma_start3A_637] : memref<819200x128xf32, #tpu.memory_space<hbm>> -> memref<128x64xf32, #tpu.memory_space<hbm>>
      %dma_start3A_639 = arith.constant 0 : i32
      %dma_start3A_640 = arith.constant 0 : i32
      %dma_start3A_641 = tpu.memref_slice %arg6[%dma_start3A_627, %dma_start3A_639, %dma_start3A_640] : memref<10x128x64xf32, #tpu.memory_space<vmem>> -> memref<1x128x64xf32, #tpu.memory_space<vmem>>
      %dma_start3A_642 = tpu.memref_squeeze %dma_start3A_641 : memref<1x128x64xf32, #tpu.memory_space<vmem>> -> memref<128x64xf32, #tpu.memory_space<vmem>>
      tpu.enqueue_dma source(%dma_start3A_642 : memref<128x64xf32, #tpu.memory_space<vmem>>) target(%dma_start3A_638 : memref<128x64xf32, #tpu.memory_space<hbm>>) target_semaphore(%dma_start3A_636 : memref<!tpu.dma_semaphore, #tpu.memory_space<semaphore_mem>>)
      %dma_wait3A_643 = arith.constant 7 : i32
      %dma_wait3A_644 = arith.constant 7 : i32
      %dma_wait3A_645 = arith.constant 0 : i32
      %dma_wait3A_646 = arith.constant 0 : i32
      %dma_wait3A_647 = tpu.memref_slice %arg6[%dma_wait3A_643, %dma_wait3A_645, %dma_wait3A_646] : memref<10x128x64xf32, #tpu.memory_space<vmem>> -> memref<1x128x64xf32, #tpu.memory_space<vmem>>
      %dma_wait3A_648 = tpu.memref_squeeze %dma_wait3A_647 : memref<1x128x64xf32, #tpu.memory_space<vmem>> -> memref<128x64xf32, #tpu.memory_space<vmem>>
      %dma_wait3A_649 = arith.constant 0 : i32
      %dma_wait3A_650 = arith.constant 0 : i32
      %dma_wait3A_651 = tpu.memref_slice %arg3[%dma_wait3A_649, %dma_wait3A_650] : memref<2000000x64xf32, #tpu.memory_space<hbm>> -> memref<128x64xf32, #tpu.memory_space<hbm>>
      %dma_wait3A_652 = tpu.memref_slice %arg7[%dma_wait3A_644] : memref<10x!tpu.dma_semaphore, #tpu.memory_space<semaphore_mem>> -> memref<1x!tpu.dma_semaphore, #tpu.memory_space<semaphore_mem>>
      %dma_wait3A_653 = tpu.memref_squeeze %dma_wait3A_652 : memref<1x!tpu.dma_semaphore, #tpu.memory_space<semaphore_mem>> -> memref<!tpu.dma_semaphore, #tpu.memory_space<semaphore_mem>>
      %dma_wait3A_654 = arith.constant 0 : i32
      %dma_wait3A_655 = arith.constant 0 : i32
      %dma_wait3A_656 = tpu.memref_slice %arg6[%dma_wait3A_643, %dma_wait3A_654, %dma_wait3A_655] : memref<10x128x64xf32, #tpu.memory_space<vmem>> -> memref<1x128x64xf32, #tpu.memory_space<vmem>>
      %dma_wait3A_657 = tpu.memref_squeeze %dma_wait3A_656 : memref<1x128x64xf32, #tpu.memory_space<vmem>> -> memref<128x64xf32, #tpu.memory_space<vmem>>
      %dma_wait3A_658 = arith.constant 0 : i32
      %dma_wait3A_659 = arith.constant 0 : i32
      %dma_wait3A_660 = tpu.memref_slice %arg3[%dma_wait3A_658, %dma_wait3A_659] : memref<2000000x64xf32, #tpu.memory_space<hbm>> -> memref<128x64xf32, #tpu.memory_space<hbm>>
      tpu.wait_dma2 semaphore(%dma_wait3A_653 : memref<!tpu.dma_semaphore, #tpu.memory_space<semaphore_mem>>) src(%dma_wait3A_660 : memref<128x64xf32, #tpu.memory_space<hbm>>) dst(%dma_wait3A_657 : memref<128x64xf32, #tpu.memory_space<vmem>>)
      %add3A_661 = arith.constant 5 : i32
      %add3A_662 = arith.addi %mul3A_253, %add3A_661 : i32
      %add3A_663 = arith.constant 2 : i32
      %add3A_664 = arith.addi %add3A_662, %add3A_663 : i32
      %mul3A_665 = arith.constant 128 : i32
      %mul3A_666 = arith.muli %add3A_664, %mul3A_665 : i32
      %add3A_667 = arith.addi %mul3A_2, %mul3A_666 : i32
      %dma_start3A_668 = arith.constant 7 : i32
      %dma_start3A_669 = arith.constant 7 : i32
      %dma_start3A_670 = arith.constant 0 : i32
      %dma_start3A_671 = arith.constant 0 : i32
      %dma_start3A_672 = tpu.memref_slice %arg6[%dma_start3A_668, %dma_start3A_670, %dma_start3A_671] : memref<10x128x64xf32, #tpu.memory_space<vmem>> -> memref<1x128x64xf32, #tpu.memory_space<vmem>>
      %dma_start3A_673 = tpu.memref_squeeze %dma_start3A_672 : memref<1x128x64xf32, #tpu.memory_space<vmem>> -> memref<128x64xf32, #tpu.memory_space<vmem>>
      %dma_start3A_674 = arith.constant 0 : i32
      %dma_start3A_675 = tpu.memref_slice %arg4[%add3A_667, %dma_start3A_674] : memref<819200x128xf32, #tpu.memory_space<hbm>> -> memref<128x64xf32, #tpu.memory_space<hbm>>
      %dma_start3A_676 = tpu.memref_slice %arg8[%dma_start3A_669] : memref<10x!tpu.dma_semaphore, #tpu.memory_space<semaphore_mem>> -> memref<1x!tpu.dma_semaphore, #tpu.memory_space<semaphore_mem>>
      %dma_start3A_677 = tpu.memref_squeeze %dma_start3A_676 : memref<1x!tpu.dma_semaphore, #tpu.memory_space<semaphore_mem>> -> memref<!tpu.dma_semaphore, #tpu.memory_space<semaphore_mem>>
      %dma_start3A_678 = arith.constant 0 : i32
      %dma_start3A_679 = tpu.memref_slice %arg4[%add3A_667, %dma_start3A_678] : memref<819200x128xf32, #tpu.memory_space<hbm>> -> memref<128x64xf32, #tpu.memory_space<hbm>>
      %dma_start3A_680 = arith.constant 0 : i32
      %dma_start3A_681 = arith.constant 0 : i32
      %dma_start3A_682 = tpu.memref_slice %arg6[%dma_start3A_668, %dma_start3A_680, %dma_start3A_681] : memref<10x128x64xf32, #tpu.memory_space<vmem>> -> memref<1x128x64xf32, #tpu.memory_space<vmem>>
      %dma_start3A_683 = tpu.memref_squeeze %dma_start3A_682 : memref<1x128x64xf32, #tpu.memory_space<vmem>> -> memref<128x64xf32, #tpu.memory_space<vmem>>
      tpu.enqueue_dma source(%dma_start3A_683 : memref<128x64xf32, #tpu.memory_space<vmem>>) target(%dma_start3A_679 : memref<128x64xf32, #tpu.memory_space<hbm>>) target_semaphore(%dma_start3A_677 : memref<!tpu.dma_semaphore, #tpu.memory_space<semaphore_mem>>)
      %dma_wait3A_684 = arith.constant 8 : i32
      %dma_wait3A_685 = arith.constant 8 : i32
      %dma_wait3A_686 = arith.constant 0 : i32
      %dma_wait3A_687 = arith.constant 0 : i32
      %dma_wait3A_688 = tpu.memref_slice %arg6[%dma_wait3A_684, %dma_wait3A_686, %dma_wait3A_687] : memref<10x128x64xf32, #tpu.memory_space<vmem>> -> memref<1x128x64xf32, #tpu.memory_space<vmem>>
      %dma_wait3A_689 = tpu.memref_squeeze %dma_wait3A_688 : memref<1x128x64xf32, #tpu.memory_space<vmem>> -> memref<128x64xf32, #tpu.memory_space<vmem>>
      %dma_wait3A_690 = arith.constant 0 : i32
      %dma_wait3A_691 = arith.constant 0 : i32
      %dma_wait3A_692 = tpu.memref_slice %arg3[%dma_wait3A_690, %dma_wait3A_691] : memref<2000000x64xf32, #tpu.memory_space<hbm>> -> memref<128x64xf32, #tpu.memory_space<hbm>>
      %dma_wait3A_693 = tpu.memref_slice %arg7[%dma_wait3A_685] : memref<10x!tpu.dma_semaphore, #tpu.memory_space<semaphore_mem>> -> memref<1x!tpu.dma_semaphore, #tpu.memory_space<semaphore_mem>>
      %dma_wait3A_694 = tpu.memref_squeeze %dma_wait3A_693 : memref<1x!tpu.dma_semaphore, #tpu.memory_space<semaphore_mem>> -> memref<!tpu.dma_semaphore, #tpu.memory_space<semaphore_mem>>
      %dma_wait3A_695 = arith.constant 0 : i32
      %dma_wait3A_696 = arith.constant 0 : i32
      %dma_wait3A_697 = tpu.memref_slice %arg6[%dma_wait3A_684, %dma_wait3A_695, %dma_wait3A_696] : memref<10x128x64xf32, #tpu.memory_space<vmem>> -> memref<1x128x64xf32, #tpu.memory_space<vmem>>
      %dma_wait3A_698 = tpu.memref_squeeze %dma_wait3A_697 : memref<1x128x64xf32, #tpu.memory_space<vmem>> -> memref<128x64xf32, #tpu.memory_space<vmem>>
      %dma_wait3A_699 = arith.constant 0 : i32
      %dma_wait3A_700 = arith.constant 0 : i32
      %dma_wait3A_701 = tpu.memref_slice %arg3[%dma_wait3A_699, %dma_wait3A_700] : memref<2000000x64xf32, #tpu.memory_space<hbm>> -> memref<128x64xf32, #tpu.memory_space<hbm>>
      tpu.wait_dma2 semaphore(%dma_wait3A_694 : memref<!tpu.dma_semaphore, #tpu.memory_space<semaphore_mem>>) src(%dma_wait3A_701 : memref<128x64xf32, #tpu.memory_space<hbm>>) dst(%dma_wait3A_698 : memref<128x64xf32, #tpu.memory_space<vmem>>)
      %add3A_702 = arith.constant 5 : i32
      %add3A_703 = arith.addi %mul3A_253, %add3A_702 : i32
      %add3A_704 = arith.constant 3 : i32
      %add3A_705 = arith.addi %add3A_703, %add3A_704 : i32
      %mul3A_706 = arith.constant 128 : i32
      %mul3A_707 = arith.muli %add3A_705, %mul3A_706 : i32
      %add3A_708 = arith.addi %mul3A_2, %mul3A_707 : i32
      %dma_start3A_709 = arith.constant 8 : i32
      %dma_start3A_710 = arith.constant 8 : i32
      %dma_start3A_711 = arith.constant 0 : i32
      %dma_start3A_712 = arith.constant 0 : i32
      %dma_start3A_713 = tpu.memref_slice %arg6[%dma_start3A_709, %dma_start3A_711, %dma_start3A_712] : memref<10x128x64xf32, #tpu.memory_space<vmem>> -> memref<1x128x64xf32, #tpu.memory_space<vmem>>
      %dma_start3A_714 = tpu.memref_squeeze %dma_start3A_713 : memref<1x128x64xf32, #tpu.memory_space<vmem>> -> memref<128x64xf32, #tpu.memory_space<vmem>>
      %dma_start3A_715 = arith.constant 0 : i32
      %dma_start3A_716 = tpu.memref_slice %arg4[%add3A_708, %dma_start3A_715] : memref<819200x128xf32, #tpu.memory_space<hbm>> -> memref<128x64xf32, #tpu.memory_space<hbm>>
      %dma_start3A_717 = tpu.memref_slice %arg8[%dma_start3A_710] : memref<10x!tpu.dma_semaphore, #tpu.memory_space<semaphore_mem>> -> memref<1x!tpu.dma_semaphore, #tpu.memory_space<semaphore_mem>>
      %dma_start3A_718 = tpu.memref_squeeze %dma_start3A_717 : memref<1x!tpu.dma_semaphore, #tpu.memory_space<semaphore_mem>> -> memref<!tpu.dma_semaphore, #tpu.memory_space<semaphore_mem>>
      %dma_start3A_719 = arith.constant 0 : i32
      %dma_start3A_720 = tpu.memref_slice %arg4[%add3A_708, %dma_start3A_719] : memref<819200x128xf32, #tpu.memory_space<hbm>> -> memref<128x64xf32, #tpu.memory_space<hbm>>
      %dma_start3A_721 = arith.constant 0 : i32
      %dma_start3A_722 = arith.constant 0 : i32
      %dma_start3A_723 = tpu.memref_slice %arg6[%dma_start3A_709, %dma_start3A_721, %dma_start3A_722] : memref<10x128x64xf32, #tpu.memory_space<vmem>> -> memref<1x128x64xf32, #tpu.memory_space<vmem>>
      %dma_start3A_724 = tpu.memref_squeeze %dma_start3A_723 : memref<1x128x64xf32, #tpu.memory_space<vmem>> -> memref<128x64xf32, #tpu.memory_space<vmem>>
      tpu.enqueue_dma source(%dma_start3A_724 : memref<128x64xf32, #tpu.memory_space<vmem>>) target(%dma_start3A_720 : memref<128x64xf32, #tpu.memory_space<hbm>>) target_semaphore(%dma_start3A_718 : memref<!tpu.dma_semaphore, #tpu.memory_space<semaphore_mem>>)
      %dma_wait3A_725 = arith.constant 9 : i32
      %dma_wait3A_726 = arith.constant 9 : i32
      %dma_wait3A_727 = arith.constant 0 : i32
      %dma_wait3A_728 = arith.constant 0 : i32
      %dma_wait3A_729 = tpu.memref_slice %arg6[%dma_wait3A_725, %dma_wait3A_727, %dma_wait3A_728] : memref<10x128x64xf32, #tpu.memory_space<vmem>> -> memref<1x128x64xf32, #tpu.memory_space<vmem>>
      %dma_wait3A_730 = tpu.memref_squeeze %dma_wait3A_729 : memref<1x128x64xf32, #tpu.memory_space<vmem>> -> memref<128x64xf32, #tpu.memory_space<vmem>>
      %dma_wait3A_731 = arith.constant 0 : i32
      %dma_wait3A_732 = arith.constant 0 : i32
      %dma_wait3A_733 = tpu.memref_slice %arg3[%dma_wait3A_731, %dma_wait3A_732] : memref<2000000x64xf32, #tpu.memory_space<hbm>> -> memref<128x64xf32, #tpu.memory_space<hbm>>
      %dma_wait3A_734 = tpu.memref_slice %arg7[%dma_wait3A_726] : memref<10x!tpu.dma_semaphore, #tpu.memory_space<semaphore_mem>> -> memref<1x!tpu.dma_semaphore, #tpu.memory_space<semaphore_mem>>
      %dma_wait3A_735 = tpu.memref_squeeze %dma_wait3A_734 : memref<1x!tpu.dma_semaphore, #tpu.memory_space<semaphore_mem>> -> memref<!tpu.dma_semaphore, #tpu.memory_space<semaphore_mem>>
      %dma_wait3A_736 = arith.constant 0 : i32
      %dma_wait3A_737 = arith.constant 0 : i32
      %dma_wait3A_738 = tpu.memref_slice %arg6[%dma_wait3A_725, %dma_wait3A_736, %dma_wait3A_737] : memref<10x128x64xf32, #tpu.memory_space<vmem>> -> memref<1x128x64xf32, #tpu.memory_space<vmem>>
      %dma_wait3A_739 = tpu.memref_squeeze %dma_wait3A_738 : memref<1x128x64xf32, #tpu.memory_space<vmem>> -> memref<128x64xf32, #tpu.memory_space<vmem>>
      %dma_wait3A_740 = arith.constant 0 : i32
      %dma_wait3A_741 = arith.constant 0 : i32
      %dma_wait3A_742 = tpu.memref_slice %arg3[%dma_wait3A_740, %dma_wait3A_741] : memref<2000000x64xf32, #tpu.memory_space<hbm>> -> memref<128x64xf32, #tpu.memory_space<hbm>>
      tpu.wait_dma2 semaphore(%dma_wait3A_735 : memref<!tpu.dma_semaphore, #tpu.memory_space<semaphore_mem>>) src(%dma_wait3A_742 : memref<128x64xf32, #tpu.memory_space<hbm>>) dst(%dma_wait3A_739 : memref<128x64xf32, #tpu.memory_space<vmem>>)
      %add3A_743 = arith.constant 5 : i32
      %add3A_744 = arith.addi %mul3A_253, %add3A_743 : i32
      %add3A_745 = arith.constant 4 : i32
      %add3A_746 = arith.addi %add3A_744, %add3A_745 : i32
      %mul3A_747 = arith.constant 128 : i32
      %mul3A_748 = arith.muli %add3A_746, %mul3A_747 : i32
      %add3A_749 = arith.addi %mul3A_2, %mul3A_748 : i32
      %dma_start3A_750 = arith.constant 9 : i32
      %dma_start3A_751 = arith.constant 9 : i32
      %dma_start3A_752 = arith.constant 0 : i32
      %dma_start3A_753 = arith.constant 0 : i32
      %dma_start3A_754 = tpu.memref_slice %arg6[%dma_start3A_750, %dma_start3A_752, %dma_start3A_753] : memref<10x128x64xf32, #tpu.memory_space<vmem>> -> memref<1x128x64xf32, #tpu.memory_space<vmem>>
      %dma_start3A_755 = tpu.memref_squeeze %dma_start3A_754 : memref<1x128x64xf32, #tpu.memory_space<vmem>> -> memref<128x64xf32, #tpu.memory_space<vmem>>
      %dma_start3A_756 = arith.constant 0 : i32
      %dma_start3A_757 = tpu.memref_slice %arg4[%add3A_749, %dma_start3A_756] : memref<819200x128xf32, #tpu.memory_space<hbm>> -> memref<128x64xf32, #tpu.memory_space<hbm>>
      %dma_start3A_758 = tpu.memref_slice %arg8[%dma_start3A_751] : memref<10x!tpu.dma_semaphore, #tpu.memory_space<semaphore_mem>> -> memref<1x!tpu.dma_semaphore, #tpu.memory_space<semaphore_mem>>
      %dma_start3A_759 = tpu.memref_squeeze %dma_start3A_758 : memref<1x!tpu.dma_semaphore, #tpu.memory_space<semaphore_mem>> -> memref<!tpu.dma_semaphore, #tpu.memory_space<semaphore_mem>>
      %dma_start3A_760 = arith.constant 0 : i32
      %dma_start3A_761 = tpu.memref_slice %arg4[%add3A_749, %dma_start3A_760] : memref<819200x128xf32, #tpu.memory_space<hbm>> -> memref<128x64xf32, #tpu.memory_space<hbm>>
      %dma_start3A_762 = arith.constant 0 : i32
      %dma_start3A_763 = arith.constant 0 : i32
      %dma_start3A_764 = tpu.memref_slice %arg6[%dma_start3A_750, %dma_start3A_762, %dma_start3A_763] : memref<10x128x64xf32, #tpu.memory_space<vmem>> -> memref<1x128x64xf32, #tpu.memory_space<vmem>>
      %dma_start3A_765 = tpu.memref_squeeze %dma_start3A_764 : memref<1x128x64xf32, #tpu.memory_space<vmem>> -> memref<128x64xf32, #tpu.memory_space<vmem>>
      tpu.enqueue_dma source(%dma_start3A_765 : memref<128x64xf32, #tpu.memory_space<vmem>>) target(%dma_start3A_761 : memref<128x64xf32, #tpu.memory_space<hbm>>) target_semaphore(%dma_start3A_759 : memref<!tpu.dma_semaphore, #tpu.memory_space<semaphore_mem>>)
      %lt3A = arith.constant 19 : i32
      %lt3A_766 = arith.cmpi slt, %scan3A_251, %lt3A : i32
      %convert_element_type3A_767 = arith.extui %lt3A_766 : i1 to i32
      %cond3A_768 = arith.constant 0 : i32
      %cond3A_769 = arith.cmpi ne, %convert_element_type3A_767, %cond3A_768 : i32
      scf.if %cond3A_769 {
        %dma_wait3A_790 = arith.constant 0 : i32
        %dma_wait3A_791 = arith.constant 0 : i32
        %dma_wait3A_792 = arith.constant 0 : i32
        %dma_wait3A_793 = arith.constant 0 : i32
        %dma_wait3A_794 = tpu.memref_slice %arg6[%dma_wait3A_790, %dma_wait3A_792, %dma_wait3A_793] : memref<10x128x64xf32, #tpu.memory_space<vmem>> -> memref<1x128x64xf32, #tpu.memory_space<vmem>>
        %dma_wait3A_795 = tpu.memref_squeeze %dma_wait3A_794 : memref<1x128x64xf32, #tpu.memory_space<vmem>> -> memref<128x64xf32, #tpu.memory_space<vmem>>
        %dma_wait3A_796 = arith.constant 0 : i32
        %dma_wait3A_797 = arith.constant 0 : i32
        %dma_wait3A_798 = tpu.memref_slice %arg4[%dma_wait3A_796, %dma_wait3A_797] : memref<819200x128xf32, #tpu.memory_space<hbm>> -> memref<128x64xf32, #tpu.memory_space<hbm>>
        %dma_wait3A_799 = tpu.memref_slice %arg8[%dma_wait3A_791] : memref<10x!tpu.dma_semaphore, #tpu.memory_space<semaphore_mem>> -> memref<1x!tpu.dma_semaphore, #tpu.memory_space<semaphore_mem>>
        %dma_wait3A_800 = tpu.memref_squeeze %dma_wait3A_799 : memref<1x!tpu.dma_semaphore, #tpu.memory_space<semaphore_mem>> -> memref<!tpu.dma_semaphore, #tpu.memory_space<semaphore_mem>>
        %dma_wait3A_801 = arith.constant 0 : i32
        %dma_wait3A_802 = arith.constant 0 : i32
        %dma_wait3A_803 = tpu.memref_slice %arg6[%dma_wait3A_790, %dma_wait3A_801, %dma_wait3A_802] : memref<10x128x64xf32, #tpu.memory_space<vmem>> -> memref<1x128x64xf32, #tpu.memory_space<vmem>>
        %dma_wait3A_804 = tpu.memref_squeeze %dma_wait3A_803 : memref<1x128x64xf32, #tpu.memory_space<vmem>> -> memref<128x64xf32, #tpu.memory_space<vmem>>
        %dma_wait3A_805 = arith.constant 0 : i32
        %dma_wait3A_806 = arith.constant 0 : i32
        %dma_wait3A_807 = tpu.memref_slice %arg4[%dma_wait3A_805, %dma_wait3A_806] : memref<819200x128xf32, #tpu.memory_space<hbm>> -> memref<128x64xf32, #tpu.memory_space<hbm>>
        tpu.wait_dma2 semaphore(%dma_wait3A_800 : memref<!tpu.dma_semaphore, #tpu.memory_space<semaphore_mem>>) src(%dma_wait3A_807 : memref<128x64xf32, #tpu.memory_space<hbm>>) dst(%dma_wait3A_804 : memref<128x64xf32, #tpu.memory_space<vmem>>)
        %add3A_808 = arith.constant 10 : i32
        %add3A_809 = arith.addi %mul3A_253, %add3A_808 : i32
        %add3A_810 = arith.constant 0 : i32
        %add3A_811 = arith.addi %add3A_809, %add3A_810 : i32
        %mul3A_812 = arith.constant 128 : i32
        %mul3A_813 = arith.muli %add3A_811, %mul3A_812 : i32
        %dma_start3A_814 = arith.constant 0 : i32
        %dma_start3A_815 = arith.constant 0 : i32
        %dma_start3A_816 = arith.constant 0 : i32
        %dma_start3A_817 = arith.constant 0 : i32
        %dma_start3A_818 = tpu.memref_slice %arg6[%dma_start3A_814, %dma_start3A_816, %dma_start3A_817] : memref<10x128x64xf32, #tpu.memory_space<vmem>> -> memref<1x128x64xf32, #tpu.memory_space<vmem>>
        %dma_start3A_819 = tpu.memref_squeeze %dma_start3A_818 : memref<1x128x64xf32, #tpu.memory_space<vmem>> -> memref<128x64xf32, #tpu.memory_space<vmem>>
        %dma_start3A_820 = tpu.memref_slice %arg5[%mul3A_813] : memref<25600xi32, #tpu.memory_space<vmem>> -> memref<128xi32, #tpu.memory_space<vmem>>
        %dma_start3A_821 = arith.constant 0 : i32
        %dma_start3A_822 = arith.constant 0 : i32
        %dma_start3A_823 = tpu.memref_slice %arg3[%dma_start3A_821, %dma_start3A_822] : memref<2000000x64xf32, #tpu.memory_space<hbm>> -> memref<2000000x64xf32, #tpu.memory_space<hbm>>
        %dma_start3A_824 = tpu.memref_slice %arg7[%dma_start3A_815] : memref<10x!tpu.dma_semaphore, #tpu.memory_space<semaphore_mem>> -> memref<1x!tpu.dma_semaphore, #tpu.memory_space<semaphore_mem>>
        %dma_start3A_825 = tpu.memref_squeeze %dma_start3A_824 : memref<1x!tpu.dma_semaphore, #tpu.memory_space<semaphore_mem>> -> memref<!tpu.dma_semaphore, #tpu.memory_space<semaphore_mem>>
        tpu.enqueue_indirect_dma source(%dma_start3A_823 : memref<2000000x64xf32, #tpu.memory_space<hbm>>) target(%dma_start3A_819 : memref<128x64xf32, #tpu.memory_space<vmem>>) offsets(%dma_start3A_820 : memref<128xi32, #tpu.memory_space<vmem>>) semaphore(%dma_start3A_825 : memref<!tpu.dma_semaphore, #tpu.memory_space<semaphore_mem>>)
      } else {
      }
      %lt3A_770 = arith.constant 19 : i32
      %lt3A_771 = arith.cmpi slt, %scan3A_251, %lt3A_770 : i32
      %convert_element_type3A_772 = arith.extui %lt3A_771 : i1 to i32
      %cond3A_773 = arith.constant 0 : i32
      %cond3A_774 = arith.cmpi ne, %convert_element_type3A_772, %cond3A_773 : i32
      scf.if %cond3A_774 {
        %dma_wait3A_790 = arith.constant 1 : i32
        %dma_wait3A_791 = arith.constant 1 : i32
        %dma_wait3A_792 = arith.constant 0 : i32
        %dma_wait3A_793 = arith.constant 0 : i32
        %dma_wait3A_794 = tpu.memref_slice %arg6[%dma_wait3A_790, %dma_wait3A_792, %dma_wait3A_793] : memref<10x128x64xf32, #tpu.memory_space<vmem>> -> memref<1x128x64xf32, #tpu.memory_space<vmem>>
        %dma_wait3A_795 = tpu.memref_squeeze %dma_wait3A_794 : memref<1x128x64xf32, #tpu.memory_space<vmem>> -> memref<128x64xf32, #tpu.memory_space<vmem>>
        %dma_wait3A_796 = arith.constant 0 : i32
        %dma_wait3A_797 = arith.constant 0 : i32
        %dma_wait3A_798 = tpu.memref_slice %arg4[%dma_wait3A_796, %dma_wait3A_797] : memref<819200x128xf32, #tpu.memory_space<hbm>> -> memref<128x64xf32, #tpu.memory_space<hbm>>
        %dma_wait3A_799 = tpu.memref_slice %arg8[%dma_wait3A_791] : memref<10x!tpu.dma_semaphore, #tpu.memory_space<semaphore_mem>> -> memref<1x!tpu.dma_semaphore, #tpu.memory_space<semaphore_mem>>
        %dma_wait3A_800 = tpu.memref_squeeze %dma_wait3A_799 : memref<1x!tpu.dma_semaphore, #tpu.memory_space<semaphore_mem>> -> memref<!tpu.dma_semaphore, #tpu.memory_space<semaphore_mem>>
        %dma_wait3A_801 = arith.constant 0 : i32
        %dma_wait3A_802 = arith.constant 0 : i32
        %dma_wait3A_803 = tpu.memref_slice %arg6[%dma_wait3A_790, %dma_wait3A_801, %dma_wait3A_802] : memref<10x128x64xf32, #tpu.memory_space<vmem>> -> memref<1x128x64xf32, #tpu.memory_space<vmem>>
        %dma_wait3A_804 = tpu.memref_squeeze %dma_wait3A_803 : memref<1x128x64xf32, #tpu.memory_space<vmem>> -> memref<128x64xf32, #tpu.memory_space<vmem>>
        %dma_wait3A_805 = arith.constant 0 : i32
        %dma_wait3A_806 = arith.constant 0 : i32
        %dma_wait3A_807 = tpu.memref_slice %arg4[%dma_wait3A_805, %dma_wait3A_806] : memref<819200x128xf32, #tpu.memory_space<hbm>> -> memref<128x64xf32, #tpu.memory_space<hbm>>
        tpu.wait_dma2 semaphore(%dma_wait3A_800 : memref<!tpu.dma_semaphore, #tpu.memory_space<semaphore_mem>>) src(%dma_wait3A_807 : memref<128x64xf32, #tpu.memory_space<hbm>>) dst(%dma_wait3A_804 : memref<128x64xf32, #tpu.memory_space<vmem>>)
        %add3A_808 = arith.constant 10 : i32
        %add3A_809 = arith.addi %mul3A_253, %add3A_808 : i32
        %add3A_810 = arith.constant 1 : i32
        %add3A_811 = arith.addi %add3A_809, %add3A_810 : i32
        %mul3A_812 = arith.constant 128 : i32
        %mul3A_813 = arith.muli %add3A_811, %mul3A_812 : i32
        %dma_start3A_814 = arith.constant 1 : i32
        %dma_start3A_815 = arith.constant 1 : i32
        %dma_start3A_816 = arith.constant 0 : i32
        %dma_start3A_817 = arith.constant 0 : i32
        %dma_start3A_818 = tpu.memref_slice %arg6[%dma_start3A_814, %dma_start3A_816, %dma_start3A_817] : memref<10x128x64xf32, #tpu.memory_space<vmem>> -> memref<1x128x64xf32, #tpu.memory_space<vmem>>
        %dma_start3A_819 = tpu.memref_squeeze %dma_start3A_818 : memref<1x128x64xf32, #tpu.memory_space<vmem>> -> memref<128x64xf32, #tpu.memory_space<vmem>>
        %dma_start3A_820 = tpu.memref_slice %arg5[%mul3A_813] : memref<25600xi32, #tpu.memory_space<vmem>> -> memref<128xi32, #tpu.memory_space<vmem>>
        %dma_start3A_821 = arith.constant 0 : i32
        %dma_start3A_822 = arith.constant 0 : i32
        %dma_start3A_823 = tpu.memref_slice %arg3[%dma_start3A_821, %dma_start3A_822] : memref<2000000x64xf32, #tpu.memory_space<hbm>> -> memref<2000000x64xf32, #tpu.memory_space<hbm>>
        %dma_start3A_824 = tpu.memref_slice %arg7[%dma_start3A_815] : memref<10x!tpu.dma_semaphore, #tpu.memory_space<semaphore_mem>> -> memref<1x!tpu.dma_semaphore, #tpu.memory_space<semaphore_mem>>
        %dma_start3A_825 = tpu.memref_squeeze %dma_start3A_824 : memref<1x!tpu.dma_semaphore, #tpu.memory_space<semaphore_mem>> -> memref<!tpu.dma_semaphore, #tpu.memory_space<semaphore_mem>>
        tpu.enqueue_indirect_dma source(%dma_start3A_823 : memref<2000000x64xf32, #tpu.memory_space<hbm>>) target(%dma_start3A_819 : memref<128x64xf32, #tpu.memory_space<vmem>>) offsets(%dma_start3A_820 : memref<128xi32, #tpu.memory_space<vmem>>) semaphore(%dma_start3A_825 : memref<!tpu.dma_semaphore, #tpu.memory_space<semaphore_mem>>)
      } else {
      }
      %lt3A_775 = arith.constant 19 : i32
      %lt3A_776 = arith.cmpi slt, %scan3A_251, %lt3A_775 : i32
      %convert_element_type3A_777 = arith.extui %lt3A_776 : i1 to i32
      %cond3A_778 = arith.constant 0 : i32
      %cond3A_779 = arith.cmpi ne, %convert_element_type3A_777, %cond3A_778 : i32
      scf.if %cond3A_779 {
        %dma_wait3A_790 = arith.constant 2 : i32
        %dma_wait3A_791 = arith.constant 2 : i32
        %dma_wait3A_792 = arith.constant 0 : i32
        %dma_wait3A_793 = arith.constant 0 : i32
        %dma_wait3A_794 = tpu.memref_slice %arg6[%dma_wait3A_790, %dma_wait3A_792, %dma_wait3A_793] : memref<10x128x64xf32, #tpu.memory_space<vmem>> -> memref<1x128x64xf32, #tpu.memory_space<vmem>>
        %dma_wait3A_795 = tpu.memref_squeeze %dma_wait3A_794 : memref<1x128x64xf32, #tpu.memory_space<vmem>> -> memref<128x64xf32, #tpu.memory_space<vmem>>
        %dma_wait3A_796 = arith.constant 0 : i32
        %dma_wait3A_797 = arith.constant 0 : i32
        %dma_wait3A_798 = tpu.memref_slice %arg4[%dma_wait3A_796, %dma_wait3A_797] : memref<819200x128xf32, #tpu.memory_space<hbm>> -> memref<128x64xf32, #tpu.memory_space<hbm>>
        %dma_wait3A_799 = tpu.memref_slice %arg8[%dma_wait3A_791] : memref<10x!tpu.dma_semaphore, #tpu.memory_space<semaphore_mem>> -> memref<1x!tpu.dma_semaphore, #tpu.memory_space<semaphore_mem>>
        %dma_wait3A_800 = tpu.memref_squeeze %dma_wait3A_799 : memref<1x!tpu.dma_semaphore, #tpu.memory_space<semaphore_mem>> -> memref<!tpu.dma_semaphore, #tpu.memory_space<semaphore_mem>>
        %dma_wait3A_801 = arith.constant 0 : i32
        %dma_wait3A_802 = arith.constant 0 : i32
        %dma_wait3A_803 = tpu.memref_slice %arg6[%dma_wait3A_790, %dma_wait3A_801, %dma_wait3A_802] : memref<10x128x64xf32, #tpu.memory_space<vmem>> -> memref<1x128x64xf32, #tpu.memory_space<vmem>>
        %dma_wait3A_804 = tpu.memref_squeeze %dma_wait3A_803 : memref<1x128x64xf32, #tpu.memory_space<vmem>> -> memref<128x64xf32, #tpu.memory_space<vmem>>
        %dma_wait3A_805 = arith.constant 0 : i32
        %dma_wait3A_806 = arith.constant 0 : i32
        %dma_wait3A_807 = tpu.memref_slice %arg4[%dma_wait3A_805, %dma_wait3A_806] : memref<819200x128xf32, #tpu.memory_space<hbm>> -> memref<128x64xf32, #tpu.memory_space<hbm>>
        tpu.wait_dma2 semaphore(%dma_wait3A_800 : memref<!tpu.dma_semaphore, #tpu.memory_space<semaphore_mem>>) src(%dma_wait3A_807 : memref<128x64xf32, #tpu.memory_space<hbm>>) dst(%dma_wait3A_804 : memref<128x64xf32, #tpu.memory_space<vmem>>)
        %add3A_808 = arith.constant 10 : i32
        %add3A_809 = arith.addi %mul3A_253, %add3A_808 : i32
        %add3A_810 = arith.constant 2 : i32
        %add3A_811 = arith.addi %add3A_809, %add3A_810 : i32
        %mul3A_812 = arith.constant 128 : i32
        %mul3A_813 = arith.muli %add3A_811, %mul3A_812 : i32
        %dma_start3A_814 = arith.constant 2 : i32
        %dma_start3A_815 = arith.constant 2 : i32
        %dma_start3A_816 = arith.constant 0 : i32
        %dma_start3A_817 = arith.constant 0 : i32
        %dma_start3A_818 = tpu.memref_slice %arg6[%dma_start3A_814, %dma_start3A_816, %dma_start3A_817] : memref<10x128x64xf32, #tpu.memory_space<vmem>> -> memref<1x128x64xf32, #tpu.memory_space<vmem>>
        %dma_start3A_819 = tpu.memref_squeeze %dma_start3A_818 : memref<1x128x64xf32, #tpu.memory_space<vmem>> -> memref<128x64xf32, #tpu.memory_space<vmem>>
        %dma_start3A_820 = tpu.memref_slice %arg5[%mul3A_813] : memref<25600xi32, #tpu.memory_space<vmem>> -> memref<128xi32, #tpu.memory_space<vmem>>
        %dma_start3A_821 = arith.constant 0 : i32
        %dma_start3A_822 = arith.constant 0 : i32
        %dma_start3A_823 = tpu.memref_slice %arg3[%dma_start3A_821, %dma_start3A_822] : memref<2000000x64xf32, #tpu.memory_space<hbm>> -> memref<2000000x64xf32, #tpu.memory_space<hbm>>
        %dma_start3A_824 = tpu.memref_slice %arg7[%dma_start3A_815] : memref<10x!tpu.dma_semaphore, #tpu.memory_space<semaphore_mem>> -> memref<1x!tpu.dma_semaphore, #tpu.memory_space<semaphore_mem>>
        %dma_start3A_825 = tpu.memref_squeeze %dma_start3A_824 : memref<1x!tpu.dma_semaphore, #tpu.memory_space<semaphore_mem>> -> memref<!tpu.dma_semaphore, #tpu.memory_space<semaphore_mem>>
        tpu.enqueue_indirect_dma source(%dma_start3A_823 : memref<2000000x64xf32, #tpu.memory_space<hbm>>) target(%dma_start3A_819 : memref<128x64xf32, #tpu.memory_space<vmem>>) offsets(%dma_start3A_820 : memref<128xi32, #tpu.memory_space<vmem>>) semaphore(%dma_start3A_825 : memref<!tpu.dma_semaphore, #tpu.memory_space<semaphore_mem>>)
      } else {
      }
      %lt3A_780 = arith.constant 19 : i32
      %lt3A_781 = arith.cmpi slt, %scan3A_251, %lt3A_780 : i32
      %convert_element_type3A_782 = arith.extui %lt3A_781 : i1 to i32
      %cond3A_783 = arith.constant 0 : i32
      %cond3A_784 = arith.cmpi ne, %convert_element_type3A_782, %cond3A_783 : i32
      scf.if %cond3A_784 {
        %dma_wait3A_790 = arith.constant 3 : i32
        %dma_wait3A_791 = arith.constant 3 : i32
        %dma_wait3A_792 = arith.constant 0 : i32
        %dma_wait3A_793 = arith.constant 0 : i32
        %dma_wait3A_794 = tpu.memref_slice %arg6[%dma_wait3A_790, %dma_wait3A_792, %dma_wait3A_793] : memref<10x128x64xf32, #tpu.memory_space<vmem>> -> memref<1x128x64xf32, #tpu.memory_space<vmem>>
        %dma_wait3A_795 = tpu.memref_squeeze %dma_wait3A_794 : memref<1x128x64xf32, #tpu.memory_space<vmem>> -> memref<128x64xf32, #tpu.memory_space<vmem>>
        %dma_wait3A_796 = arith.constant 0 : i32
        %dma_wait3A_797 = arith.constant 0 : i32
        %dma_wait3A_798 = tpu.memref_slice %arg4[%dma_wait3A_796, %dma_wait3A_797] : memref<819200x128xf32, #tpu.memory_space<hbm>> -> memref<128x64xf32, #tpu.memory_space<hbm>>
        %dma_wait3A_799 = tpu.memref_slice %arg8[%dma_wait3A_791] : memref<10x!tpu.dma_semaphore, #tpu.memory_space<semaphore_mem>> -> memref<1x!tpu.dma_semaphore, #tpu.memory_space<semaphore_mem>>
        %dma_wait3A_800 = tpu.memref_squeeze %dma_wait3A_799 : memref<1x!tpu.dma_semaphore, #tpu.memory_space<semaphore_mem>> -> memref<!tpu.dma_semaphore, #tpu.memory_space<semaphore_mem>>
        %dma_wait3A_801 = arith.constant 0 : i32
        %dma_wait3A_802 = arith.constant 0 : i32
        %dma_wait3A_803 = tpu.memref_slice %arg6[%dma_wait3A_790, %dma_wait3A_801, %dma_wait3A_802] : memref<10x128x64xf32, #tpu.memory_space<vmem>> -> memref<1x128x64xf32, #tpu.memory_space<vmem>>
        %dma_wait3A_804 = tpu.memref_squeeze %dma_wait3A_803 : memref<1x128x64xf32, #tpu.memory_space<vmem>> -> memref<128x64xf32, #tpu.memory_space<vmem>>
        %dma_wait3A_805 = arith.constant 0 : i32
        %dma_wait3A_806 = arith.constant 0 : i32
        %dma_wait3A_807 = tpu.memref_slice %arg4[%dma_wait3A_805, %dma_wait3A_806] : memref<819200x128xf32, #tpu.memory_space<hbm>> -> memref<128x64xf32, #tpu.memory_space<hbm>>
        tpu.wait_dma2 semaphore(%dma_wait3A_800 : memref<!tpu.dma_semaphore, #tpu.memory_space<semaphore_mem>>) src(%dma_wait3A_807 : memref<128x64xf32, #tpu.memory_space<hbm>>) dst(%dma_wait3A_804 : memref<128x64xf32, #tpu.memory_space<vmem>>)
        %add3A_808 = arith.constant 10 : i32
        %add3A_809 = arith.addi %mul3A_253, %add3A_808 : i32
        %add3A_810 = arith.constant 3 : i32
        %add3A_811 = arith.addi %add3A_809, %add3A_810 : i32
        %mul3A_812 = arith.constant 128 : i32
        %mul3A_813 = arith.muli %add3A_811, %mul3A_812 : i32
        %dma_start3A_814 = arith.constant 3 : i32
        %dma_start3A_815 = arith.constant 3 : i32
        %dma_start3A_816 = arith.constant 0 : i32
        %dma_start3A_817 = arith.constant 0 : i32
        %dma_start3A_818 = tpu.memref_slice %arg6[%dma_start3A_814, %dma_start3A_816, %dma_start3A_817] : memref<10x128x64xf32, #tpu.memory_space<vmem>> -> memref<1x128x64xf32, #tpu.memory_space<vmem>>
        %dma_start3A_819 = tpu.memref_squeeze %dma_start3A_818 : memref<1x128x64xf32, #tpu.memory_space<vmem>> -> memref<128x64xf32, #tpu.memory_space<vmem>>
        %dma_start3A_820 = tpu.memref_slice %arg5[%mul3A_813] : memref<25600xi32, #tpu.memory_space<vmem>> -> memref<128xi32, #tpu.memory_space<vmem>>
        %dma_start3A_821 = arith.constant 0 : i32
        %dma_start3A_822 = arith.constant 0 : i32
        %dma_start3A_823 = tpu.memref_slice %arg3[%dma_start3A_821, %dma_start3A_822] : memref<2000000x64xf32, #tpu.memory_space<hbm>> -> memref<2000000x64xf32, #tpu.memory_space<hbm>>
        %dma_start3A_824 = tpu.memref_slice %arg7[%dma_start3A_815] : memref<10x!tpu.dma_semaphore, #tpu.memory_space<semaphore_mem>> -> memref<1x!tpu.dma_semaphore, #tpu.memory_space<semaphore_mem>>
        %dma_start3A_825 = tpu.memref_squeeze %dma_start3A_824 : memref<1x!tpu.dma_semaphore, #tpu.memory_space<semaphore_mem>> -> memref<!tpu.dma_semaphore, #tpu.memory_space<semaphore_mem>>
        tpu.enqueue_indirect_dma source(%dma_start3A_823 : memref<2000000x64xf32, #tpu.memory_space<hbm>>) target(%dma_start3A_819 : memref<128x64xf32, #tpu.memory_space<vmem>>) offsets(%dma_start3A_820 : memref<128xi32, #tpu.memory_space<vmem>>) semaphore(%dma_start3A_825 : memref<!tpu.dma_semaphore, #tpu.memory_space<semaphore_mem>>)
      } else {
      }
      %lt3A_785 = arith.constant 19 : i32
      %lt3A_786 = arith.cmpi slt, %scan3A_251, %lt3A_785 : i32
      %convert_element_type3A_787 = arith.extui %lt3A_786 : i1 to i32
      %cond3A_788 = arith.constant 0 : i32
      %cond3A_789 = arith.cmpi ne, %convert_element_type3A_787, %cond3A_788 : i32
      scf.if %cond3A_789 {
        %dma_wait3A_790 = arith.constant 4 : i32
        %dma_wait3A_791 = arith.constant 4 : i32
        %dma_wait3A_792 = arith.constant 0 : i32
        %dma_wait3A_793 = arith.constant 0 : i32
        %dma_wait3A_794 = tpu.memref_slice %arg6[%dma_wait3A_790, %dma_wait3A_792, %dma_wait3A_793] : memref<10x128x64xf32, #tpu.memory_space<vmem>> -> memref<1x128x64xf32, #tpu.memory_space<vmem>>
        %dma_wait3A_795 = tpu.memref_squeeze %dma_wait3A_794 : memref<1x128x64xf32, #tpu.memory_space<vmem>> -> memref<128x64xf32, #tpu.memory_space<vmem>>
        %dma_wait3A_796 = arith.constant 0 : i32
        %dma_wait3A_797 = arith.constant 0 : i32
        %dma_wait3A_798 = tpu.memref_slice %arg4[%dma_wait3A_796, %dma_wait3A_797] : memref<819200x128xf32, #tpu.memory_space<hbm>> -> memref<128x64xf32, #tpu.memory_space<hbm>>
        %dma_wait3A_799 = tpu.memref_slice %arg8[%dma_wait3A_791] : memref<10x!tpu.dma_semaphore, #tpu.memory_space<semaphore_mem>> -> memref<1x!tpu.dma_semaphore, #tpu.memory_space<semaphore_mem>>
        %dma_wait3A_800 = tpu.memref_squeeze %dma_wait3A_799 : memref<1x!tpu.dma_semaphore, #tpu.memory_space<semaphore_mem>> -> memref<!tpu.dma_semaphore, #tpu.memory_space<semaphore_mem>>
        %dma_wait3A_801 = arith.constant 0 : i32
        %dma_wait3A_802 = arith.constant 0 : i32
        %dma_wait3A_803 = tpu.memref_slice %arg6[%dma_wait3A_790, %dma_wait3A_801, %dma_wait3A_802] : memref<10x128x64xf32, #tpu.memory_space<vmem>> -> memref<1x128x64xf32, #tpu.memory_space<vmem>>
        %dma_wait3A_804 = tpu.memref_squeeze %dma_wait3A_803 : memref<1x128x64xf32, #tpu.memory_space<vmem>> -> memref<128x64xf32, #tpu.memory_space<vmem>>
        %dma_wait3A_805 = arith.constant 0 : i32
        %dma_wait3A_806 = arith.constant 0 : i32
        %dma_wait3A_807 = tpu.memref_slice %arg4[%dma_wait3A_805, %dma_wait3A_806] : memref<819200x128xf32, #tpu.memory_space<hbm>> -> memref<128x64xf32, #tpu.memory_space<hbm>>
        tpu.wait_dma2 semaphore(%dma_wait3A_800 : memref<!tpu.dma_semaphore, #tpu.memory_space<semaphore_mem>>) src(%dma_wait3A_807 : memref<128x64xf32, #tpu.memory_space<hbm>>) dst(%dma_wait3A_804 : memref<128x64xf32, #tpu.memory_space<vmem>>)
        %add3A_808 = arith.constant 10 : i32
        %add3A_809 = arith.addi %mul3A_253, %add3A_808 : i32
        %add3A_810 = arith.constant 4 : i32
        %add3A_811 = arith.addi %add3A_809, %add3A_810 : i32
        %mul3A_812 = arith.constant 128 : i32
        %mul3A_813 = arith.muli %add3A_811, %mul3A_812 : i32
        %dma_start3A_814 = arith.constant 4 : i32
        %dma_start3A_815 = arith.constant 4 : i32
        %dma_start3A_816 = arith.constant 0 : i32
        %dma_start3A_817 = arith.constant 0 : i32
        %dma_start3A_818 = tpu.memref_slice %arg6[%dma_start3A_814, %dma_start3A_816, %dma_start3A_817] : memref<10x128x64xf32, #tpu.memory_space<vmem>> -> memref<1x128x64xf32, #tpu.memory_space<vmem>>
        %dma_start3A_819 = tpu.memref_squeeze %dma_start3A_818 : memref<1x128x64xf32, #tpu.memory_space<vmem>> -> memref<128x64xf32, #tpu.memory_space<vmem>>
        %dma_start3A_820 = tpu.memref_slice %arg5[%mul3A_813] : memref<25600xi32, #tpu.memory_space<vmem>> -> memref<128xi32, #tpu.memory_space<vmem>>
        %dma_start3A_821 = arith.constant 0 : i32
        %dma_start3A_822 = arith.constant 0 : i32
        %dma_start3A_823 = tpu.memref_slice %arg3[%dma_start3A_821, %dma_start3A_822] : memref<2000000x64xf32, #tpu.memory_space<hbm>> -> memref<2000000x64xf32, #tpu.memory_space<hbm>>
        %dma_start3A_824 = tpu.memref_slice %arg7[%dma_start3A_815] : memref<10x!tpu.dma_semaphore, #tpu.memory_space<semaphore_mem>> -> memref<1x!tpu.dma_semaphore, #tpu.memory_space<semaphore_mem>>
        %dma_start3A_825 = tpu.memref_squeeze %dma_start3A_824 : memref<1x!tpu.dma_semaphore, #tpu.memory_space<semaphore_mem>> -> memref<!tpu.dma_semaphore, #tpu.memory_space<semaphore_mem>>
        tpu.enqueue_indirect_dma source(%dma_start3A_823 : memref<2000000x64xf32, #tpu.memory_space<hbm>>) target(%dma_start3A_819 : memref<128x64xf32, #tpu.memory_space<vmem>>) offsets(%dma_start3A_820 : memref<128xi32, #tpu.memory_space<vmem>>) semaphore(%dma_start3A_825 : memref<!tpu.dma_semaphore, #tpu.memory_space<semaphore_mem>>)
      } else {
      }
    }
    %scan3A_71 = arith.constant 20 : i32
    %dma_wait3A = arith.constant 0 : i32
    %dma_wait3A_72 = arith.constant 0 : i32
    %dma_wait3A_73 = arith.constant 0 : i32
    %dma_wait3A_74 = arith.constant 0 : i32
    %dma_wait3A_75 = tpu.memref_slice %arg6[%dma_wait3A, %dma_wait3A_73, %dma_wait3A_74] : memref<10x128x64xf32, #tpu.memory_space<vmem>> -> memref<1x128x64xf32, #tpu.memory_space<vmem>>
    %dma_wait3A_76 = tpu.memref_squeeze %dma_wait3A_75 : memref<1x128x64xf32, #tpu.memory_space<vmem>> -> memref<128x64xf32, #tpu.memory_space<vmem>>
    %dma_wait3A_77 = arith.constant 0 : i32
    %dma_wait3A_78 = arith.constant 0 : i32
    %dma_wait3A_79 = tpu.memref_slice %arg4[%dma_wait3A_77, %dma_wait3A_78] : memref<819200x128xf32, #tpu.memory_space<hbm>> -> memref<128x64xf32, #tpu.memory_space<hbm>>
    %dma_wait3A_80 = tpu.memref_slice %arg8[%dma_wait3A_72] : memref<10x!tpu.dma_semaphore, #tpu.memory_space<semaphore_mem>> -> memref<1x!tpu.dma_semaphore, #tpu.memory_space<semaphore_mem>>
    %dma_wait3A_81 = tpu.memref_squeeze %dma_wait3A_80 : memref<1x!tpu.dma_semaphore, #tpu.memory_space<semaphore_mem>> -> memref<!tpu.dma_semaphore, #tpu.memory_space<semaphore_mem>>
    %dma_wait3A_82 = arith.constant 0 : i32
    %dma_wait3A_83 = arith.constant 0 : i32
    %dma_wait3A_84 = tpu.memref_slice %arg6[%dma_wait3A, %dma_wait3A_82, %dma_wait3A_83] : memref<10x128x64xf32, #tpu.memory_space<vmem>> -> memref<1x128x64xf32, #tpu.memory_space<vmem>>
    %dma_wait3A_85 = tpu.memref_squeeze %dma_wait3A_84 : memref<1x128x64xf32, #tpu.memory_space<vmem>> -> memref<128x64xf32, #tpu.memory_space<vmem>>
    %dma_wait3A_86 = arith.constant 0 : i32
    %dma_wait3A_87 = arith.constant 0 : i32
    %dma_wait3A_88 = tpu.memref_slice %arg4[%dma_wait3A_86, %dma_wait3A_87] : memref<819200x128xf32, #tpu.memory_space<hbm>> -> memref<128x64xf32, #tpu.memory_space<hbm>>
    tpu.wait_dma2 semaphore(%dma_wait3A_81 : memref<!tpu.dma_semaphore, #tpu.memory_space<semaphore_mem>>) src(%dma_wait3A_88 : memref<128x64xf32, #tpu.memory_space<hbm>>) dst(%dma_wait3A_85 : memref<128x64xf32, #tpu.memory_space<vmem>>)
    %dma_wait3A_89 = arith.constant 1 : i32
    %dma_wait3A_90 = arith.constant 1 : i32
    %dma_wait3A_91 = arith.constant 0 : i32
    %dma_wait3A_92 = arith.constant 0 : i32
    %dma_wait3A_93 = tpu.memref_slice %arg6[%dma_wait3A_89, %dma_wait3A_91, %dma_wait3A_92] : memref<10x128x64xf32, #tpu.memory_space<vmem>> -> memref<1x128x64xf32, #tpu.memory_space<vmem>>
    %dma_wait3A_94 = tpu.memref_squeeze %dma_wait3A_93 : memref<1x128x64xf32, #tpu.memory_space<vmem>> -> memref<128x64xf32, #tpu.memory_space<vmem>>
    %dma_wait3A_95 = arith.constant 0 : i32
    %dma_wait3A_96 = arith.constant 0 : i32
    %dma_wait3A_97 = tpu.memref_slice %arg4[%dma_wait3A_95, %dma_wait3A_96] : memref<819200x128xf32, #tpu.memory_space<hbm>> -> memref<128x64xf32, #tpu.memory_space<hbm>>
    %dma_wait3A_98 = tpu.memref_slice %arg8[%dma_wait3A_90] : memref<10x!tpu.dma_semaphore, #tpu.memory_space<semaphore_mem>> -> memref<1x!tpu.dma_semaphore, #tpu.memory_space<semaphore_mem>>
    %dma_wait3A_99 = tpu.memref_squeeze %dma_wait3A_98 : memref<1x!tpu.dma_semaphore, #tpu.memory_space<semaphore_mem>> -> memref<!tpu.dma_semaphore, #tpu.memory_space<semaphore_mem>>
    %dma_wait3A_100 = arith.constant 0 : i32
    %dma_wait3A_101 = arith.constant 0 : i32
    %dma_wait3A_102 = tpu.memref_slice %arg6[%dma_wait3A_89, %dma_wait3A_100, %dma_wait3A_101] : memref<10x128x64xf32, #tpu.memory_space<vmem>> -> memref<1x128x64xf32, #tpu.memory_space<vmem>>
    %dma_wait3A_103 = tpu.memref_squeeze %dma_wait3A_102 : memref<1x128x64xf32, #tpu.memory_space<vmem>> -> memref<128x64xf32, #tpu.memory_space<vmem>>
    %dma_wait3A_104 = arith.constant 0 : i32
    %dma_wait3A_105 = arith.constant 0 : i32
    %dma_wait3A_106 = tpu.memref_slice %arg4[%dma_wait3A_104, %dma_wait3A_105] : memref<819200x128xf32, #tpu.memory_space<hbm>> -> memref<128x64xf32, #tpu.memory_space<hbm>>
    tpu.wait_dma2 semaphore(%dma_wait3A_99 : memref<!tpu.dma_semaphore, #tpu.memory_space<semaphore_mem>>) src(%dma_wait3A_106 : memref<128x64xf32, #tpu.memory_space<hbm>>) dst(%dma_wait3A_103 : memref<128x64xf32, #tpu.memory_space<vmem>>)
    %dma_wait3A_107 = arith.constant 2 : i32
    %dma_wait3A_108 = arith.constant 2 : i32
    %dma_wait3A_109 = arith.constant 0 : i32
    %dma_wait3A_110 = arith.constant 0 : i32
    %dma_wait3A_111 = tpu.memref_slice %arg6[%dma_wait3A_107, %dma_wait3A_109, %dma_wait3A_110] : memref<10x128x64xf32, #tpu.memory_space<vmem>> -> memref<1x128x64xf32, #tpu.memory_space<vmem>>
    %dma_wait3A_112 = tpu.memref_squeeze %dma_wait3A_111 : memref<1x128x64xf32, #tpu.memory_space<vmem>> -> memref<128x64xf32, #tpu.memory_space<vmem>>
    %dma_wait3A_113 = arith.constant 0 : i32
    %dma_wait3A_114 = arith.constant 0 : i32
    %dma_wait3A_115 = tpu.memref_slice %arg4[%dma_wait3A_113, %dma_wait3A_114] : memref<819200x128xf32, #tpu.memory_space<hbm>> -> memref<128x64xf32, #tpu.memory_space<hbm>>
    %dma_wait3A_116 = tpu.memref_slice %arg8[%dma_wait3A_108] : memref<10x!tpu.dma_semaphore, #tpu.memory_space<semaphore_mem>> -> memref<1x!tpu.dma_semaphore, #tpu.memory_space<semaphore_mem>>
    %dma_wait3A_117 = tpu.memref_squeeze %dma_wait3A_116 : memref<1x!tpu.dma_semaphore, #tpu.memory_space<semaphore_mem>> -> memref<!tpu.dma_semaphore, #tpu.memory_space<semaphore_mem>>
    %dma_wait3A_118 = arith.constant 0 : i32
    %dma_wait3A_119 = arith.constant 0 : i32
    %dma_wait3A_120 = tpu.memref_slice %arg6[%dma_wait3A_107, %dma_wait3A_118, %dma_wait3A_119] : memref<10x128x64xf32, #tpu.memory_space<vmem>> -> memref<1x128x64xf32, #tpu.memory_space<vmem>>
    %dma_wait3A_121 = tpu.memref_squeeze %dma_wait3A_120 : memref<1x128x64xf32, #tpu.memory_space<vmem>> -> memref<128x64xf32, #tpu.memory_space<vmem>>
    %dma_wait3A_122 = arith.constant 0 : i32
    %dma_wait3A_123 = arith.constant 0 : i32
    %dma_wait3A_124 = tpu.memref_slice %arg4[%dma_wait3A_122, %dma_wait3A_123] : memref<819200x128xf32, #tpu.memory_space<hbm>> -> memref<128x64xf32, #tpu.memory_space<hbm>>
    tpu.wait_dma2 semaphore(%dma_wait3A_117 : memref<!tpu.dma_semaphore, #tpu.memory_space<semaphore_mem>>) src(%dma_wait3A_124 : memref<128x64xf32, #tpu.memory_space<hbm>>) dst(%dma_wait3A_121 : memref<128x64xf32, #tpu.memory_space<vmem>>)
    %dma_wait3A_125 = arith.constant 3 : i32
    %dma_wait3A_126 = arith.constant 3 : i32
    %dma_wait3A_127 = arith.constant 0 : i32
    %dma_wait3A_128 = arith.constant 0 : i32
    %dma_wait3A_129 = tpu.memref_slice %arg6[%dma_wait3A_125, %dma_wait3A_127, %dma_wait3A_128] : memref<10x128x64xf32, #tpu.memory_space<vmem>> -> memref<1x128x64xf32, #tpu.memory_space<vmem>>
    %dma_wait3A_130 = tpu.memref_squeeze %dma_wait3A_129 : memref<1x128x64xf32, #tpu.memory_space<vmem>> -> memref<128x64xf32, #tpu.memory_space<vmem>>
    %dma_wait3A_131 = arith.constant 0 : i32
    %dma_wait3A_132 = arith.constant 0 : i32
    %dma_wait3A_133 = tpu.memref_slice %arg4[%dma_wait3A_131, %dma_wait3A_132] : memref<819200x128xf32, #tpu.memory_space<hbm>> -> memref<128x64xf32, #tpu.memory_space<hbm>>
    %dma_wait3A_134 = tpu.memref_slice %arg8[%dma_wait3A_126] : memref<10x!tpu.dma_semaphore, #tpu.memory_space<semaphore_mem>> -> memref<1x!tpu.dma_semaphore, #tpu.memory_space<semaphore_mem>>
    %dma_wait3A_135 = tpu.memref_squeeze %dma_wait3A_134 : memref<1x!tpu.dma_semaphore, #tpu.memory_space<semaphore_mem>> -> memref<!tpu.dma_semaphore, #tpu.memory_space<semaphore_mem>>
    %dma_wait3A_136 = arith.constant 0 : i32
    %dma_wait3A_137 = arith.constant 0 : i32
    %dma_wait3A_138 = tpu.memref_slice %arg6[%dma_wait3A_125, %dma_wait3A_136, %dma_wait3A_137] : memref<10x128x64xf32, #tpu.memory_space<vmem>> -> memref<1x128x64xf32, #tpu.memory_space<vmem>>
    %dma_wait3A_139 = tpu.memref_squeeze %dma_wait3A_138 : memref<1x128x64xf32, #tpu.memory_space<vmem>> -> memref<128x64xf32, #tpu.memory_space<vmem>>
    %dma_wait3A_140 = arith.constant 0 : i32
    %dma_wait3A_141 = arith.constant 0 : i32
    %dma_wait3A_142 = tpu.memref_slice %arg4[%dma_wait3A_140, %dma_wait3A_141] : memref<819200x128xf32, #tpu.memory_space<hbm>> -> memref<128x64xf32, #tpu.memory_space<hbm>>
    tpu.wait_dma2 semaphore(%dma_wait3A_135 : memref<!tpu.dma_semaphore, #tpu.memory_space<semaphore_mem>>) src(%dma_wait3A_142 : memref<128x64xf32, #tpu.memory_space<hbm>>) dst(%dma_wait3A_139 : memref<128x64xf32, #tpu.memory_space<vmem>>)
    %dma_wait3A_143 = arith.constant 4 : i32
    %dma_wait3A_144 = arith.constant 4 : i32
    %dma_wait3A_145 = arith.constant 0 : i32
    %dma_wait3A_146 = arith.constant 0 : i32
    %dma_wait3A_147 = tpu.memref_slice %arg6[%dma_wait3A_143, %dma_wait3A_145, %dma_wait3A_146] : memref<10x128x64xf32, #tpu.memory_space<vmem>> -> memref<1x128x64xf32, #tpu.memory_space<vmem>>
    %dma_wait3A_148 = tpu.memref_squeeze %dma_wait3A_147 : memref<1x128x64xf32, #tpu.memory_space<vmem>> -> memref<128x64xf32, #tpu.memory_space<vmem>>
    %dma_wait3A_149 = arith.constant 0 : i32
    %dma_wait3A_150 = arith.constant 0 : i32
    %dma_wait3A_151 = tpu.memref_slice %arg4[%dma_wait3A_149, %dma_wait3A_150] : memref<819200x128xf32, #tpu.memory_space<hbm>> -> memref<128x64xf32, #tpu.memory_space<hbm>>
    %dma_wait3A_152 = tpu.memref_slice %arg8[%dma_wait3A_144] : memref<10x!tpu.dma_semaphore, #tpu.memory_space<semaphore_mem>> -> memref<1x!tpu.dma_semaphore, #tpu.memory_space<semaphore_mem>>
    %dma_wait3A_153 = tpu.memref_squeeze %dma_wait3A_152 : memref<1x!tpu.dma_semaphore, #tpu.memory_space<semaphore_mem>> -> memref<!tpu.dma_semaphore, #tpu.memory_space<semaphore_mem>>
    %dma_wait3A_154 = arith.constant 0 : i32
    %dma_wait3A_155 = arith.constant 0 : i32
    %dma_wait3A_156 = tpu.memref_slice %arg6[%dma_wait3A_143, %dma_wait3A_154, %dma_wait3A_155] : memref<10x128x64xf32, #tpu.memory_space<vmem>> -> memref<1x128x64xf32, #tpu.memory_space<vmem>>
    %dma_wait3A_157 = tpu.memref_squeeze %dma_wait3A_156 : memref<1x128x64xf32, #tpu.memory_space<vmem>> -> memref<128x64xf32, #tpu.memory_space<vmem>>
    %dma_wait3A_158 = arith.constant 0 : i32
    %dma_wait3A_159 = arith.constant 0 : i32
    %dma_wait3A_160 = tpu.memref_slice %arg4[%dma_wait3A_158, %dma_wait3A_159] : memref<819200x128xf32, #tpu.memory_space<hbm>> -> memref<128x64xf32, #tpu.memory_space<hbm>>
    tpu.wait_dma2 semaphore(%dma_wait3A_153 : memref<!tpu.dma_semaphore, #tpu.memory_space<semaphore_mem>>) src(%dma_wait3A_160 : memref<128x64xf32, #tpu.memory_space<hbm>>) dst(%dma_wait3A_157 : memref<128x64xf32, #tpu.memory_space<vmem>>)
    %dma_wait3A_161 = arith.constant 5 : i32
    %dma_wait3A_162 = arith.constant 5 : i32
    %dma_wait3A_163 = arith.constant 0 : i32
    %dma_wait3A_164 = arith.constant 0 : i32
    %dma_wait3A_165 = tpu.memref_slice %arg6[%dma_wait3A_161, %dma_wait3A_163, %dma_wait3A_164] : memref<10x128x64xf32, #tpu.memory_space<vmem>> -> memref<1x128x64xf32, #tpu.memory_space<vmem>>
    %dma_wait3A_166 = tpu.memref_squeeze %dma_wait3A_165 : memref<1x128x64xf32, #tpu.memory_space<vmem>> -> memref<128x64xf32, #tpu.memory_space<vmem>>
    %dma_wait3A_167 = arith.constant 0 : i32
    %dma_wait3A_168 = arith.constant 0 : i32
    %dma_wait3A_169 = tpu.memref_slice %arg4[%dma_wait3A_167, %dma_wait3A_168] : memref<819200x128xf32, #tpu.memory_space<hbm>> -> memref<128x64xf32, #tpu.memory_space<hbm>>
    %dma_wait3A_170 = tpu.memref_slice %arg8[%dma_wait3A_162] : memref<10x!tpu.dma_semaphore, #tpu.memory_space<semaphore_mem>> -> memref<1x!tpu.dma_semaphore, #tpu.memory_space<semaphore_mem>>
    %dma_wait3A_171 = tpu.memref_squeeze %dma_wait3A_170 : memref<1x!tpu.dma_semaphore, #tpu.memory_space<semaphore_mem>> -> memref<!tpu.dma_semaphore, #tpu.memory_space<semaphore_mem>>
    %dma_wait3A_172 = arith.constant 0 : i32
    %dma_wait3A_173 = arith.constant 0 : i32
    %dma_wait3A_174 = tpu.memref_slice %arg6[%dma_wait3A_161, %dma_wait3A_172, %dma_wait3A_173] : memref<10x128x64xf32, #tpu.memory_space<vmem>> -> memref<1x128x64xf32, #tpu.memory_space<vmem>>
    %dma_wait3A_175 = tpu.memref_squeeze %dma_wait3A_174 : memref<1x128x64xf32, #tpu.memory_space<vmem>> -> memref<128x64xf32, #tpu.memory_space<vmem>>
    %dma_wait3A_176 = arith.constant 0 : i32
    %dma_wait3A_177 = arith.constant 0 : i32
    %dma_wait3A_178 = tpu.memref_slice %arg4[%dma_wait3A_176, %dma_wait3A_177] : memref<819200x128xf32, #tpu.memory_space<hbm>> -> memref<128x64xf32, #tpu.memory_space<hbm>>
    tpu.wait_dma2 semaphore(%dma_wait3A_171 : memref<!tpu.dma_semaphore, #tpu.memory_space<semaphore_mem>>) src(%dma_wait3A_178 : memref<128x64xf32, #tpu.memory_space<hbm>>) dst(%dma_wait3A_175 : memref<128x64xf32, #tpu.memory_space<vmem>>)
    %dma_wait3A_179 = arith.constant 6 : i32
    %dma_wait3A_180 = arith.constant 6 : i32
    %dma_wait3A_181 = arith.constant 0 : i32
    %dma_wait3A_182 = arith.constant 0 : i32
    %dma_wait3A_183 = tpu.memref_slice %arg6[%dma_wait3A_179, %dma_wait3A_181, %dma_wait3A_182] : memref<10x128x64xf32, #tpu.memory_space<vmem>> -> memref<1x128x64xf32, #tpu.memory_space<vmem>>
    %dma_wait3A_184 = tpu.memref_squeeze %dma_wait3A_183 : memref<1x128x64xf32, #tpu.memory_space<vmem>> -> memref<128x64xf32, #tpu.memory_space<vmem>>
    %dma_wait3A_185 = arith.constant 0 : i32
    %dma_wait3A_186 = arith.constant 0 : i32
    %dma_wait3A_187 = tpu.memref_slice %arg4[%dma_wait3A_185, %dma_wait3A_186] : memref<819200x128xf32, #tpu.memory_space<hbm>> -> memref<128x64xf32, #tpu.memory_space<hbm>>
    %dma_wait3A_188 = tpu.memref_slice %arg8[%dma_wait3A_180] : memref<10x!tpu.dma_semaphore, #tpu.memory_space<semaphore_mem>> -> memref<1x!tpu.dma_semaphore, #tpu.memory_space<semaphore_mem>>
    %dma_wait3A_189 = tpu.memref_squeeze %dma_wait3A_188 : memref<1x!tpu.dma_semaphore, #tpu.memory_space<semaphore_mem>> -> memref<!tpu.dma_semaphore, #tpu.memory_space<semaphore_mem>>
    %dma_wait3A_190 = arith.constant 0 : i32
    %dma_wait3A_191 = arith.constant 0 : i32
    %dma_wait3A_192 = tpu.memref_slice %arg6[%dma_wait3A_179, %dma_wait3A_190, %dma_wait3A_191] : memref<10x128x64xf32, #tpu.memory_space<vmem>> -> memref<1x128x64xf32, #tpu.memory_space<vmem>>
    %dma_wait3A_193 = tpu.memref_squeeze %dma_wait3A_192 : memref<1x128x64xf32, #tpu.memory_space<vmem>> -> memref<128x64xf32, #tpu.memory_space<vmem>>
    %dma_wait3A_194 = arith.constant 0 : i32
    %dma_wait3A_195 = arith.constant 0 : i32
    %dma_wait3A_196 = tpu.memref_slice %arg4[%dma_wait3A_194, %dma_wait3A_195] : memref<819200x128xf32, #tpu.memory_space<hbm>> -> memref<128x64xf32, #tpu.memory_space<hbm>>
    tpu.wait_dma2 semaphore(%dma_wait3A_189 : memref<!tpu.dma_semaphore, #tpu.memory_space<semaphore_mem>>) src(%dma_wait3A_196 : memref<128x64xf32, #tpu.memory_space<hbm>>) dst(%dma_wait3A_193 : memref<128x64xf32, #tpu.memory_space<vmem>>)
    %dma_wait3A_197 = arith.constant 7 : i32
    %dma_wait3A_198 = arith.constant 7 : i32
    %dma_wait3A_199 = arith.constant 0 : i32
    %dma_wait3A_200 = arith.constant 0 : i32
    %dma_wait3A_201 = tpu.memref_slice %arg6[%dma_wait3A_197, %dma_wait3A_199, %dma_wait3A_200] : memref<10x128x64xf32, #tpu.memory_space<vmem>> -> memref<1x128x64xf32, #tpu.memory_space<vmem>>
    %dma_wait3A_202 = tpu.memref_squeeze %dma_wait3A_201 : memref<1x128x64xf32, #tpu.memory_space<vmem>> -> memref<128x64xf32, #tpu.memory_space<vmem>>
    %dma_wait3A_203 = arith.constant 0 : i32
    %dma_wait3A_204 = arith.constant 0 : i32
    %dma_wait3A_205 = tpu.memref_slice %arg4[%dma_wait3A_203, %dma_wait3A_204] : memref<819200x128xf32, #tpu.memory_space<hbm>> -> memref<128x64xf32, #tpu.memory_space<hbm>>
    %dma_wait3A_206 = tpu.memref_slice %arg8[%dma_wait3A_198] : memref<10x!tpu.dma_semaphore, #tpu.memory_space<semaphore_mem>> -> memref<1x!tpu.dma_semaphore, #tpu.memory_space<semaphore_mem>>
    %dma_wait3A_207 = tpu.memref_squeeze %dma_wait3A_206 : memref<1x!tpu.dma_semaphore, #tpu.memory_space<semaphore_mem>> -> memref<!tpu.dma_semaphore, #tpu.memory_space<semaphore_mem>>
    %dma_wait3A_208 = arith.constant 0 : i32
    %dma_wait3A_209 = arith.constant 0 : i32
    %dma_wait3A_210 = tpu.memref_slice %arg6[%dma_wait3A_197, %dma_wait3A_208, %dma_wait3A_209] : memref<10x128x64xf32, #tpu.memory_space<vmem>> -> memref<1x128x64xf32, #tpu.memory_space<vmem>>
    %dma_wait3A_211 = tpu.memref_squeeze %dma_wait3A_210 : memref<1x128x64xf32, #tpu.memory_space<vmem>> -> memref<128x64xf32, #tpu.memory_space<vmem>>
    %dma_wait3A_212 = arith.constant 0 : i32
    %dma_wait3A_213 = arith.constant 0 : i32
    %dma_wait3A_214 = tpu.memref_slice %arg4[%dma_wait3A_212, %dma_wait3A_213] : memref<819200x128xf32, #tpu.memory_space<hbm>> -> memref<128x64xf32, #tpu.memory_space<hbm>>
    tpu.wait_dma2 semaphore(%dma_wait3A_207 : memref<!tpu.dma_semaphore, #tpu.memory_space<semaphore_mem>>) src(%dma_wait3A_214 : memref<128x64xf32, #tpu.memory_space<hbm>>) dst(%dma_wait3A_211 : memref<128x64xf32, #tpu.memory_space<vmem>>)
    %dma_wait3A_215 = arith.constant 8 : i32
    %dma_wait3A_216 = arith.constant 8 : i32
    %dma_wait3A_217 = arith.constant 0 : i32
    %dma_wait3A_218 = arith.constant 0 : i32
    %dma_wait3A_219 = tpu.memref_slice %arg6[%dma_wait3A_215, %dma_wait3A_217, %dma_wait3A_218] : memref<10x128x64xf32, #tpu.memory_space<vmem>> -> memref<1x128x64xf32, #tpu.memory_space<vmem>>
    %dma_wait3A_220 = tpu.memref_squeeze %dma_wait3A_219 : memref<1x128x64xf32, #tpu.memory_space<vmem>> -> memref<128x64xf32, #tpu.memory_space<vmem>>
    %dma_wait3A_221 = arith.constant 0 : i32
    %dma_wait3A_222 = arith.constant 0 : i32
    %dma_wait3A_223 = tpu.memref_slice %arg4[%dma_wait3A_221, %dma_wait3A_222] : memref<819200x128xf32, #tpu.memory_space<hbm>> -> memref<128x64xf32, #tpu.memory_space<hbm>>
    %dma_wait3A_224 = tpu.memref_slice %arg8[%dma_wait3A_216] : memref<10x!tpu.dma_semaphore, #tpu.memory_space<semaphore_mem>> -> memref<1x!tpu.dma_semaphore, #tpu.memory_space<semaphore_mem>>
    %dma_wait3A_225 = tpu.memref_squeeze %dma_wait3A_224 : memref<1x!tpu.dma_semaphore, #tpu.memory_space<semaphore_mem>> -> memref<!tpu.dma_semaphore, #tpu.memory_space<semaphore_mem>>
    %dma_wait3A_226 = arith.constant 0 : i32
    %dma_wait3A_227 = arith.constant 0 : i32
    %dma_wait3A_228 = tpu.memref_slice %arg6[%dma_wait3A_215, %dma_wait3A_226, %dma_wait3A_227] : memref<10x128x64xf32, #tpu.memory_space<vmem>> -> memref<1x128x64xf32, #tpu.memory_space<vmem>>
    %dma_wait3A_229 = tpu.memref_squeeze %dma_wait3A_228 : memref<1x128x64xf32, #tpu.memory_space<vmem>> -> memref<128x64xf32, #tpu.memory_space<vmem>>
    %dma_wait3A_230 = arith.constant 0 : i32
    %dma_wait3A_231 = arith.constant 0 : i32
    %dma_wait3A_232 = tpu.memref_slice %arg4[%dma_wait3A_230, %dma_wait3A_231] : memref<819200x128xf32, #tpu.memory_space<hbm>> -> memref<128x64xf32, #tpu.memory_space<hbm>>
    tpu.wait_dma2 semaphore(%dma_wait3A_225 : memref<!tpu.dma_semaphore, #tpu.memory_space<semaphore_mem>>) src(%dma_wait3A_232 : memref<128x64xf32, #tpu.memory_space<hbm>>) dst(%dma_wait3A_229 : memref<128x64xf32, #tpu.memory_space<vmem>>)
    %dma_wait3A_233 = arith.constant 9 : i32
    %dma_wait3A_234 = arith.constant 9 : i32
    %dma_wait3A_235 = arith.constant 0 : i32
    %dma_wait3A_236 = arith.constant 0 : i32
    %dma_wait3A_237 = tpu.memref_slice %arg6[%dma_wait3A_233, %dma_wait3A_235, %dma_wait3A_236] : memref<10x128x64xf32, #tpu.memory_space<vmem>> -> memref<1x128x64xf32, #tpu.memory_space<vmem>>
    %dma_wait3A_238 = tpu.memref_squeeze %dma_wait3A_237 : memref<1x128x64xf32, #tpu.memory_space<vmem>> -> memref<128x64xf32, #tpu.memory_space<vmem>>
    %dma_wait3A_239 = arith.constant 0 : i32
    %dma_wait3A_240 = arith.constant 0 : i32
    %dma_wait3A_241 = tpu.memref_slice %arg4[%dma_wait3A_239, %dma_wait3A_240] : memref<819200x128xf32, #tpu.memory_space<hbm>> -> memref<128x64xf32, #tpu.memory_space<hbm>>
    %dma_wait3A_242 = tpu.memref_slice %arg8[%dma_wait3A_234] : memref<10x!tpu.dma_semaphore, #tpu.memory_space<semaphore_mem>> -> memref<1x!tpu.dma_semaphore, #tpu.memory_space<semaphore_mem>>
    %dma_wait3A_243 = tpu.memref_squeeze %dma_wait3A_242 : memref<1x!tpu.dma_semaphore, #tpu.memory_space<semaphore_mem>> -> memref<!tpu.dma_semaphore, #tpu.memory_space<semaphore_mem>>
    %dma_wait3A_244 = arith.constant 0 : i32
    %dma_wait3A_245 = arith.constant 0 : i32
    %dma_wait3A_246 = tpu.memref_slice %arg6[%dma_wait3A_233, %dma_wait3A_244, %dma_wait3A_245] : memref<10x128x64xf32, #tpu.memory_space<vmem>> -> memref<1x128x64xf32, #tpu.memory_space<vmem>>
    %dma_wait3A_247 = tpu.memref_squeeze %dma_wait3A_246 : memref<1x128x64xf32, #tpu.memory_space<vmem>> -> memref<128x64xf32, #tpu.memory_space<vmem>>
    %dma_wait3A_248 = arith.constant 0 : i32
    %dma_wait3A_249 = arith.constant 0 : i32
    %dma_wait3A_250 = tpu.memref_slice %arg4[%dma_wait3A_248, %dma_wait3A_249] : memref<819200x128xf32, #tpu.memory_space<hbm>> -> memref<128x64xf32, #tpu.memory_space<hbm>>
    tpu.wait_dma2 semaphore(%dma_wait3A_243 : memref<!tpu.dma_semaphore, #tpu.memory_space<semaphore_mem>>) src(%dma_wait3A_250 : memref<128x64xf32, #tpu.memory_space<hbm>>) dst(%dma_wait3A_247 : memref<128x64xf32, #tpu.memory_space<vmem>>)
    return
  }
}

</mosaic_0001>

<sc_bundles>
// kernel: kernel.3.cloned.1.call-start
scs
__scs_entry_jumppad:
0x0: {  	(pc) =	sbr.rel $0x88, $3  }
0x1: {  	(tag) =	ssettag $0x0;
	lr =	simm.s32 $0x1  }
0x2: {  	[smem:$0x3F9F] =	sst lr;
	_ =	strace $0xD0000000  }
0x3: {  	_ = 	snop  }
0x4: {  	_ = 	snop  }
0x5: {  	_ = 	snop  }
0x6: {  	_ = 	snop  }
0x7: {  	_ = 	snop  }
__scs_overlays_trampoline_lowered:
0x8: {  	[smem:$0x3FAE] =	sst s0  }
0x9: {  	[smem:$0x3FAF] =	sst s1  }
0xa: {  	[smem:$0x3FB0] =	sst s2  }
0xb: {  	[smem:$0x3FB1] =	sst s3  }
0xc: {  	[smem:$0x3FB2] =	sst s4  }
0xd: {  	[smem:$0x3FB3] =	sst s5  }
0xe: {  	[smem:$0x3FB4] =	sst s6  }
0xf: {  	[smem:$0x3FB5] =	sst s7  }
0x10: {  	[smem:$0x3FB6] =	sst s8  }
0x11: {  	[smem:$0x3FB7] =	sst s9;
	s0 =	simm.s32 @!p0 $0x0  }
0x12: {  	s1 =	sld [smem:$0x3F9D];
	s0 =	simm.s32 @p0 $0x1  }
0x13: {  	[smem:$0x3FB8] =	sst s0;
	s0 =	simm.s32 @!p1 $0x0  }
0x14: {  	s2 =	sld [smem:$0x3F9C];
	s0 =	simm.s32 @p1 $0x1  }
0x15: {  	[smem:$0x3FB9] =	sst s0;
	s0 =	simm.s32 @!p2 $0x0  }
0x16: {  	s3 =	sld [smem:$0x3FDB];
	s0 =	simm.s32 @p2 $0x1  }
0x17: {  	s4 =	simm.s32 $0x1BF5;
	[smem:$0x3FBB] =	sst s0  }
0x18: {  	s0 =	sld [smem:$0x3F9E];
	_ =	swait.ge [sflag:s4], $0x0  }
0x19: {  	s7 =	sld [smem:$0x3F9F]  }
0x1a: {  	s8 =	sadd.s32 $0xFFFFE003, lr  }
0x1b: {  	s9 =	sadd.s32 $0xFFFFFEF7, lr;
	s5 =	simm.s32 $0xFFFFFFFF;
	p2 =	slt.u32 s8, $0xFFFFF086  }
0x1c: {  	p1 =	slt.u32 s9, $0xF7A;
	s5 =	simm.s32 @!p2 $0x0  }
0x1d: {  	s5 =	simm.s32 @p1 $0x1;
	p0 =	seq.s32 s7, s2  }
0x1e: {  	s7 =	smul.u32 @!p0 $0xF7A, s2;
	p2 =	seq.s32 @!p0 s5, $0x0  }
0x1f: {  	s9 =	smul.u32 $0xF7A, s1;
	s8 =	simm.s32 @!p0 $0x1BF5;
	p2 =	por !p2, p0  }
0x20: {  	[sflag:s8] =	ssyncset.s32 @!p0 $0xFFFFF086;
	s6 =	sadd.s32 @!p0 s3, s7;
	s7 =	simm.s32 @!p0 $0x108  }
0x21: {  	s3 =	sadd.s32 s3, s9;
	s6 =	sadd.s32 @!p0 $0x88, s6;
	s7 =	simm.s32 @p2 $0x1082  }
0x22: {  	[simem:s7], [sflag:s8] =	dma.local @!p0 [hbm:s6], $0xF7A  }
0x23: {  	s9 =	sor.u32 $0xD0000000, s2;
	s6 =	simm.s32 $0x108;
	_ =	swait.ge @!p0 [sflag:s8], $0x0  }
0x24: {  	s3 =	sadd.s32 $0x88, s3;
	s6 =	simm.s32 @!p1 $0x1082;
	[sflag:s4] =	ssyncset.s32 $0xFFFFF086  }
0x25: {  	[simem:s6], [sflag:s4] =	dma.local [hbm:s3], $0xF7A  }
0x26: {  	[smem:$0x3F9F] =	sst s1;
	(tag) =	ssettag s2;
	_ =	strace s9  }
0x27: {  	s1 =	sld [smem:$0x3FAF]  }
0x28: {  	s2 =	sld [smem:$0x3FB0]  }
0x29: {  	s4 =	sld [smem:$0x3FB2]  }
0x2a: {  	p0 =	seq.s32 s5, $0x0;
	s5 =	sld [smem:$0x3FB3]  }
0x2b: {  	s6 =	sld [smem:$0x3FB4]  }
0x2c: {  	s7 =	sld [smem:$0x3FB5]  }
0x2d: {  	s3 =	simm.s32 $0x108;
	s8 =	sld [smem:$0x3FB6]  }
0x2e: {  	s3 =	simm.s32 @!p0 $0x1082;
	s9 =	sld [smem:$0x3FB7]  }
0x2f: {  	lr =	sadd.s32 s0, s3;
	s0 =	sld [smem:$0x3FAE]  }
0x30: {  	s3 =	sld [smem:$0x3FB1]  }
0x31: {  	[smem:$0x3FBA] =	sst s10  }
0x32: {  	s10 =	sld [smem:$0x3FB8];
	_ =	sdelay $0x3  }
0x33: {  	p0 =	seq.s32 s10, $0x1;
	s10 =	sld [smem:$0x3FBA];
	_ =	sdelay $0x3  }
0x34: {  	[smem:$0x3FBA] =	sst s10  }
0x35: {  	s10 =	sld [smem:$0x3FB9];
	_ =	sdelay $0x3  }
0x36: {  	p1 =	seq.s32 s10, $0x1;
	s10 =	sld [smem:$0x3FBA];
	_ =	sdelay $0x3  }
0x37: {  	[smem:$0x3FBA] =	sst s10  }
0x38: {  	s10 =	sld [smem:$0x3FBB]  }
0x39: {  	_ = 	snop;
	(pc) =	sbr.ind lr, $3  }
0x3a: {  	_ = 	snop  }
0x3b: {  	_ = 	snop  }
0x3c: {  	p2 =	seq.s32 s10, $0x1;
	s10 =	sld [smem:$0x3FBA]  }
0x3d: {  	_ =	shalt  }
0x3e: {  	_ =	shalt  }
0x3f: {  	_ =	shalt  }
0x40: {  	_ =	shalt  }
0x41: {  	_ =	shalt  }
0x42: {  	_ =	shalt  }
0x43: {  	_ =	shalt  }
0x44: {  	_ =	shalt  }
0x45: {  	_ =	shalt  }
0x46: {  	_ =	shalt  }
0x47: {  	_ =	shalt  }
0x48: {  	_ =	shalt  }
0x49: {  	_ =	shalt  }
0x4a: {  	_ =	shalt  }
0x4b: {  	_ =	shalt  }
0x4c: {  	_ =	shalt  }
0x4d: {  	_ =	shalt  }
0x4e: {  	_ =	shalt  }
0x4f: {  	_ =	shalt  }
0x50: {  	_ =	shalt  }
0x51: {  	_ =	shalt  }
0x52: {  	_ =	shalt  }
0x53: {  	_ =	shalt  }
0x54: {  	_ =	shalt  }
0x55: {  	_ =	shalt  }
0x56: {  	_ =	shalt  }
0x57: {  	_ =	shalt  }
0x58: {  	_ =	shalt  }
0x59: {  	_ =	shalt  }
0x5a: {  	_ =	shalt  }
0x5b: {  	_ =	shalt  }
0x5c: {  	_ =	shalt  }
0x5d: {  	_ =	shalt  }
0x5e: {  	_ =	shalt  }
0x5f: {  	_ =	shalt  }
0x60: {  	_ =	shalt  }
0x61: {  	_ =	shalt  }
0x62: {  	_ =	shalt  }
0x63: {  	_ =	shalt  }
0x64: {  	_ =	shalt  }
0x65: {  	_ =	shalt  }
0x66: {  	_ =	shalt  }
0x67: {  	_ =	shalt  }
0x68: {  	_ =	shalt  }
0x69: {  	_ =	shalt  }
0x6a: {  	_ =	shalt  }
0x6b: {  	_ =	shalt  }
0x6c: {  	_ =	shalt  }
0x6d: {  	_ =	shalt  }
0x6e: {  	_ =	shalt  }
0x6f: {  	_ =	shalt  }
0x70: {  	_ =	shalt  }
0x71: {  	_ =	shalt  }
0x72: {  	_ =	shalt  }
0x73: {  	_ =	shalt  }
0x74: {  	_ =	shalt  }
0x75: {  	_ =	shalt  }
0x76: {  	_ =	shalt  }
0x77: {  	_ =	shalt  }
0x78: {  	_ =	shalt  }
0x79: {  	_ =	shalt  }
0x7a: {  	_ =	shalt  }
0x7b: {  	_ =	shalt  }
0x7c: {  	_ =	shalt  }
0x7d: {  	_ =	shalt  }
0x7e: {  	_ =	shalt  }
0x7f: {  	_ =	shalt  }
0x80: {  	_ =	shalt  }
0x81: {  	_ =	shalt  }
0x82: {  	_ =	shalt  }
0x83: {  	_ =	shalt  }
0x84: {  	_ =	shalt  }
0x85: {  	_ =	shalt  }
0x86: {  	_ =	shalt  }
0x87: {  	_ =	shalt  }
.Lfunc_end0:
.L_simem_size_0:
called_computation.2_lowered:
.L_overlay_start_0:
0x88: {  	s2 =	sld [smem:$0x3FD9]  }
0x89: {  	s3 =	sld [smem:$0x3FFE];
	_ =	sdelay $0x1  }
0x8a: {  	s1 =	srdreg.scid  }
0x8b: {  	s0 =	sand.u32 $0x1, s1  }
0x8c: {  	s17 =	sshll.u32 s0, $0xA;
	s2 =	sadd.s32 s3, s2  }
0x8d: {  	s2 =	sadd.s32 s2, s17  }
0x8e: {  	[smem:$0x3FC6] =	sst s2  }
0x8f: {  	_ = 	snop  }
0x90: {  	s2 =	sld [smem:$0x3FD0];
	(tm) =	ssettm $0x1  }
0x91: {  	s18 =	sld [smem:$0x3FFB];
	_ =	sdelay $0x3  }
0x92: {  	_ =	strace s18  }
0x93: {  	s3 =	sld [smem:$0x3FFC];
	_ =	sdelay $0x3  }
0x94: {  	_ =	strace s3  }
0x95: {  	s3 =	sld [smem:$0x3FFD];
	_ =	sdelay $0x3  }
0x96: {  	_ =	strace s3  }
0x97: {  	_ =	strace $0x8FFFFFFF  }
0x98: {  	s19 =	sld [smem:$0x3FDB];
	_ =	sdelay $0x1  }
0x99: {  	s4 =	simm.s32 $_scs_section_size  }
0x9a: {  	s5 =	simm.s32 $_size__tile_overlayer_lowered;
	s6 =	simm.s32 $_tile_overlayer_lowered  }
0x9b: {  	s22 =	simm.s32 $0x1BFF;
	s21 =	sshll.u32 s6, $0x1;
	s3 =	sadd.s32 s4, s19  }
0x9c: {  	s7 =	simm.s32 $0x0;
	s20 =	sshll.u32 s5, $0x1;
	s5 =	sadd.s32 s21, s3  }
0x9d: {  	[timem:s7], [sflag:s22] =	dma.local [hbm:s5], s20  }
0x9e: {  	_ =	swait.ge [sflag:s22], s20  }
0x9f: {  	s4 =	ssub.s32 $0x0, s20;
	[sflag:s22] =	ssyncset.done $0x0  }
0xa0: {  	[sflag:s22] =	ssyncadd.s32 s4;
	_ =	sdelay $0x1  }
0xa1: {  	s23 =	simm.s32 $0x1B8B  }
0xa2: {  	_ =	swait.ge [sflag:s23], $0x1  }
0xa3: {  	[sflag:s23] =	ssyncset.done $0x0  }
0xa4: {  	s25 =	simm.s32 $0x1B8E;
	s24 =	sld [smem:$0x3FFE];
	[sflag:s23] =	ssyncadd.s32 $0xFFFFFFFF  }
0xa5: {  	s26 =	simm.s32 $execute0_lowered;
	[smem:$0x3FD2] =	sst s25  }
0xa6: {  	s5 =	sshll.u32 s26, $0x1;
	_ =	strace $0x80000049;
	[dreg:$0x1] =	wrdreg $0xFFFFFFFF  }
0xa7: {  	s28 =	simm.s32 $_size_execute0_lowered;
	s3 =	sadd.s32 s3, s5;
	[dreg:$0x0] =	wrdreg $0x0  }
0xa8: {  	s5 =	sshll.u32 s28, $0x1;
	[dreg:$0x2] =	wrdreg s3  }
0xa9: {  	[dreg:$0x3] =	wrdreg s5  }
0xaa: {  	[dreg:$0x4] =	wrdreg $0xC0  }
0xab: {  	_ =	task [dreg:s7], $0x5FFFF  }
0xac: {  	[dreg:$0x1] =	wrdreg $0xFFFFFFFF  }
0xad: {  	[dreg:$0x0] =	wrdreg $0x60  }
0xae: {  	[dreg:$0x2] =	wrdreg s2  }
0xaf: {  	[dreg:$0x3] =	wrdreg s24  }
0xb0: {  	[dreg:$0x4] =	wrdreg $0x9  }
0xb1: {  	_ =	task.clear_ibuf [dreg:s7], $0x5FFFF;
	_ =	strace $0x90000049  }
0xb2: {  	s29 =	simm.s32 $0x9;
	_ =	strace $0x8000004B  }
0xb3: {  	_ =	swait.ge [sflag:s29], $0x1  }
0xb4: {  	[sflag:s29] =	ssyncadd.s32 $0xFFFFFFFF  }
0xb5: {  	_ =	strace $0x9000004B  }
0xb6: {  	_ =	sfence  }
0xb7: {  	s30 =	sld [smem:$0x0];
	_ =	sdelay $0x2  }
0xb8: {  	s31 =	sshll.u32 s1, $0xD;
	s1 =	sshrl.u32 s1, $0x2  }
0xb9: {  	s3 =	sand.u32 $0x4000, s31;
	s1 =	sadd.s32 s1, s30  }
0xba: {  	s0 =	sor.u32 s3, s0;
	s1 =	sshll.u32 s1, $0x11  }
0xbb: {  	s0 =	sor.u32 s1, s0  }
0xbc: {  	s0 =	sadd.s32 $0x8F2B, s0  }
0xbd: {  	[sflag:s0] =	ssyncadd.remote.s32 $0x1  }
0xbe: {  	_ =	sfence.sel $0xFFFF  }
0xbf: {  	[dreg:$0x0] =	wrdreg $0xFFFFFFFF;
	(pc) =	sbr.abs _section_cstart, $3  }
0xc0: {  	[dreg:$0x1] =	wrdreg $0xFFFFFFFF  }
0xc1: {  	_ =	task.clear_ibuf [dreg:s7], $0x2FFFF;
	_ =	strace $0x9FFFFFFF  }
0xc2: {  	(tm) =	ssettm $0x7FFFFFFF  }
0xc3: {  	_ =	shalt  }
tec
execute0_lowered:
.L_overlay_start_1:
0x0: {  	(tag) =	ssettag $0x1  }
0x1: {  	s0 =	srdreg.scid;
	s1 =	rddreg [dreg:$0x0]  }
0x2: {  	s8 =	stileid.u32;
	s5 =	rddreg [dreg:$0x1];
	s4 =	simm.s32 $0x0  }
0x3: {  	s15 =	simm.s32 $0x80;
	s13 =	simm.s32 $0x6400;
	s16 =	simm.s32 $0x8400  }
0x4: {  	s17 =	simm.s32 $0xA400;
	s28 =	simm.s32 $0x3;
	s29 =	simm.s32 $0x4  }
0x5: {  	s30 =	simm.s32 $0x5;
	s14 =	simm.s32 $0xA;
	s11 =	simm.s32 $0x0  }
0x6: {  	s31 =	simm.s32 $0xC400;
	s0 =	sand.u32 $0x1, s0;
	s2 =	sshll.u32 s8, $0x1  }
0x7: {  	[smem:$0x7FF] =	sst s4;
	s18 =	smul.u32 $0xC800, s8;
	s4 =	sadd.s32 $0xF43200, s5  }
0x8: {  	s10 =	sadd.s32 $0xE00, s5;
	s22 =	smul.u32 $0xC8000, s8;
	s8 =	simm.s32 $0xF  }
0x9: {  	s2 =	sor.u32 s0, s2;
	s6 =	ssub.s32 $0x2, s0;
	s7 =	smul.u32 $0x6400, s0  }
0xa: {  	_ =	strace $0x8000004A;
	s0 =	smul.u32 $0x64000, s0;
	s19 =	sshrl.u32 s6, $0x1  }
0xb: {  	s3 =	smul.u32 $0x6400, s2;
	s5 =	ssub.s32 s6, s19;
	s2 =	sadd.s32 s7, s18  }
0xc: {  	s0 =	sadd.s32 s0, s22;
	s19 =	simm.s32 $0xC400;
	s18 =	simm.s32 $0x7  }
0xd: {  	s22 =	simm.s32 $0x8;
	s6 =	simm.s32 $0x9;
	s7 =	simm.s32 $0xE  }
0xe: {  	s20 =	sshrl.u32 s3, $0x3;
	s5 =	smax.u32 s5, $0x1;
	[dreg:$0xa] =	wrdreg s0  }
0xf: {  	s21 =	sshll.u32 s2, $0x4;
	s1 =	sadd.s32 s1, s20;
	[dreg:$0x4] =	wrdreg s5  }
0x10: {  	s0 =	simm.s32 $0xB;
	s23 =	sor.u32 $0x2000, s21;
	[dreg:$0x3] =	wrdreg s1  }
0x11: {  	s2 =	simm.s32 $0xD;
	s24 =	sor.u32 $0x1800, s21;
	[dreg:$0x5] =	wrdreg s23  }
.Ltmp0:
0x12: {  	s25 =	sor.u32 $0x1000, s21;
	[dreg:$0x6] =	wrdreg s24;
	(pc) =	sbr.rel .LBB2_1-.Ltmp0, $4  }
0x13: {  	s26 =	sor.u32 $0x800, s21;
	s20 =	simm.s32 $0xC;
	[dreg:$0x7] =	wrdreg s25  }
0x14: {  	[dreg:$0x8] =	wrdreg s26;
	s1 =	sadd.s32 $0x4800, s21;
	s21 =	simm.s32 $0xE400  }
0x15: {  	s25 =	simm.s32 $0x40;
	s26 =	simm.s32 $0x2;
	s24 =	simm.s32 $0xE400  }
0x16: {  	s23 =	simm.s32 $0xA400;
	[dreg:$0x9] =	wrdreg s1;
	s1 =	simm.s32 $0x6  }
.LBB2_4:
0x17: {  	_ =	swait.ge [sflag:s20], $0x2000  }
0x18: {  	[sflag:s20] =	ssyncset.done $0x0  }
0x19: {  	[sflag:s20] =	ssyncadd.s32 $0xFFFFE000  }
0x1a: {  	_ =	swait.ge [sflag:s2], $0x2000  }
0x1b: {  	[sflag:s2] =	ssyncset.done $0x0  }
0x1c: {  	[sflag:s2] =	ssyncadd.s32 $0xFFFFE000  }
0x1d: {  	_ =	swait.ge [sflag:s7], $0x2000  }
0x1e: {  	[sflag:s7] =	ssyncset.done $0x0  }
0x1f: {  	[sflag:s7] =	ssyncadd.s32 $0xFFFFE000  }
0x20: {  	_ =	swait.ge [sflag:s8], $0x2000  }
0x21: {  	[sflag:s8] =	ssyncset.done $0x0  }
0x22: {  	s5 =	simm.s32 $0x10;
	[sflag:s8] =	ssyncadd.s32 $0xFFFFE000  }
0x23: {  	_ =	swait.ge [sflag:s5], $0x2000  }
0x24: {  	[sflag:s5] =	ssyncset.done $0x0  }
0x25: {  	s16 =	simm.s32 $0x11;
	[sflag:s5] =	ssyncadd.s32 $0xFFFFE000  }
0x26: {  	_ =	swait.ge [sflag:s16], $0x2000  }
0x27: {  	[sflag:s16] =	ssyncset.done $0x0  }
0x28: {  	s17 =	simm.s32 $0x12;
	[sflag:s16] =	ssyncadd.s32 $0xFFFFE000  }
0x29: {  	_ =	swait.ge [sflag:s17], $0x2000  }
0x2a: {  	[sflag:s17] =	ssyncset.done $0x0  }
0x2b: {  	s19 =	simm.s32 $0x13;
	[sflag:s17] =	ssyncadd.s32 $0xFFFFE000  }
0x2c: {  	_ =	swait.ge [sflag:s19], $0x2000  }
0x2d: {  	[sflag:s19] =	ssyncset.done $0x0  }
0x2e: {  	s9 =	simm.s32 $0x14;
	[sflag:s19] =	ssyncadd.s32 $0xFFFFE000  }
0x2f: {  	_ =	swait.ge [sflag:s9], $0x2000  }
0x30: {  	s11 =	rddreg [dreg:$0xb]  }
0x31: {  	s21 =	rddreg [dreg:$0x4];
	s11 =	sadd.s32 $0x1, s11  }
0x32: {  	p0 =	sne.s32 s11, s21  }
.Ltmp1:
0x33: {  	_ = 	snop;
	(pc) =	sbr.rel @!p0 .LBB2_5-.Ltmp1, $4  }
0x34: {  	_ = 	snop  }
0x35: {  	s13 =	simm.s32 $0x6400  }
0x36: {  	s16 =	simm.s32 $0x8400;
	s17 =	simm.s32 $0xA400;
	[sflag:s9] =	ssyncset.done $0x0  }
0x37: {  	s19 =	simm.s32 $0xC400;
	[sflag:s9] =	ssyncadd.s32 $0xFFFFE000;
	s21 =	simm.s32 $0xE400  }
.LBB2_1:
0x38: {  	[dreg:$0xb] =	wrdreg s11  }
0x39: {  	s5 =	simm.s32 $0x0;
	s9 =	rddreg [dreg:$0x3];
	s12 =	simm.s32 $0x15  }
0x3a: {  	[tilespmem:s5], [sflag:$0x15] =	stream.linear.gather [hbm4b:s9+s5], $0x6400, $0x38;
	[tilespmem:$0x1A400] =	vst v63  }
0x3b: {  	_ =	swait.ge [sflag:s12], $0x6400  }
0x3c: {  	[sflag:s12] =	ssyncset.done $0x0  }
0x3d: {  	[sflag:s12] =	ssyncadd.s32 $0xFFFF9C00  }
0x3e: {  	[tilespmem:s13], [sflag:$0x1] =	stream.indirect.gather [hbm4b:s4+s15], $0x40, s5, s15, $0xb8;
	[tilespmem:$0x1A400] =	vst v63  }
0x3f: {  	_ = 	snop  }
0x40: {  	[tilespmem:s16], [sflag:$0x2] =	stream.indirect.gather [hbm4b:s4+s15], $0x40, s15, s15, $0xb8;
	[tilespmem:$0x1A400] =	vst v63  }
0x41: {  	s9 =	simm.s32 $0x100  }
0x42: {  	[tilespmem:s17], [sflag:$0x3] =	stream.indirect.gather [hbm4b:s4+s15], $0x40, s9, s15, $0xb8;
	[tilespmem:$0x1A400] =	vst v63  }
0x43: {  	s11 =	simm.s32 $0x180;
	s12 =	simm.s32 $0x200  }
0x44: {  	[tilespmem:s19], [sflag:$0x4] =	stream.indirect.gather [hbm4b:s4+s15], $0x40, s11, s15, $0xb8;
	[tilespmem:$0x1A400] =	vst v63  }
0x45: {  	s5 =	smov.u32 s10;
	s9 =	simm.s32 $0x400;
	s11 =	simm.s32 $0x0  }
0x46: {  	[tilespmem:s21], [sflag:$0x5] =	stream.indirect.gather [hbm4b:s4+s15], $0x40, s12, s15, $0xb8;
	[tilespmem:$0x1A400] =	vst v63  }
.LBB2_2:
0x47: {  	s12 =	simm.s32 $0x1  }
0x48: {  	_ =	swait.ge [sflag:s12], $0x2000  }
0x49: {  	[sflag:s12] =	ssyncset.done $0x0  }
0x4a: {  	[sflag:s12] =	ssyncadd.s32 $0xFFFFE000;
	s12 =	rddreg [dreg:$0xa]  }
0x4b: {  	s12 =	sadd.s32 s5, s12  }
0x4c: {  	[hbm4b:s12+s25] =	stream.strided.scatter [tilespmem:s13], [sflag:$0xB], $0x2000, s15, s25, $0x38;
	[tilespmem:$0x1A400] =	vst v63  }
0x4d: {  	_ =	swait.ge [sflag:s26], $0x2000  }
0x4e: {  	[sflag:s26] =	ssyncset.done $0x0;
	s13 =	rddreg [dreg:$0x8]  }
0x4f: {  	[sflag:s26] =	ssyncadd.s32 $0xFFFFE000;
	s12 =	sadd.s32 s5, s13  }
0x50: {  	[hbm4b:s12+s25] =	stream.strided.scatter [tilespmem:s16], [sflag:$0xC], $0x2000, s15, s25, $0x38;
	[tilespmem:$0x1A400] =	vst v63  }
0x51: {  	_ =	swait.ge [sflag:s28], $0x2000  }
0x52: {  	[sflag:s28] =	ssyncset.done $0x0;
	s16 =	rddreg [dreg:$0x7]  }
0x53: {  	[sflag:s28] =	ssyncadd.s32 $0xFFFFE000;
	s12 =	sadd.s32 s5, s16  }
0x54: {  	[hbm4b:s12+s25] =	stream.strided.scatter [tilespmem:s17], [sflag:$0xD], $0x2000, s15, s25, $0x38;
	[tilespmem:$0x1A400] =	vst v63  }
0x55: {  	_ =	swait.ge [sflag:s29], $0x2000  }
0x56: {  	[sflag:s29] =	ssyncset.done $0x0;
	s13 =	rddreg [dreg:$0x6]  }
0x57: {  	[sflag:s29] =	ssyncadd.s32 $0xFFFFE000;
	s12 =	sadd.s32 s5, s13  }
0x58: {  	[hbm4b:s12+s25] =	stream.strided.scatter [tilespmem:s19], [sflag:$0xE], $0x2000, s15, s25, $0x38;
	[tilespmem:$0x1A400] =	vst v63  }
0x59: {  	_ =	swait.ge [sflag:s30], $0x2000  }
0x5a: {  	[sflag:s30] =	ssyncset.done $0x0;
	s16 =	rddreg [dreg:$0x5]  }
0x5b: {  	p0 =	sne.s32 s11, $0x0;
	[sflag:s30] =	ssyncadd.s32 $0xFFFFE000;
	s12 =	sadd.s32 s5, s16  }
0x5c: {  	[hbm4b:s12+s25] =	stream.strided.scatter [tilespmem:s21], [sflag:$0xF], $0x2000, s15, s25, $0x38;
	[tilespmem:$0x1A400] =	vst v63  }
0x5d: {  	s12 =	simm.s32 @p0 $0x10  }
0x5e: {  	_ =	swait.ge @p0 [sflag:s12], $0x2000  }
0x5f: {  	[sflag:s12] =	ssyncset.done @p0 $0x0  }
0x60: {  	[sflag:s12] =	ssyncadd.s32 @p0 $0xFFFFE000;
	s12 =	sshra.s32 @p0 s11, $0x2  }
0x61: {  	s17 =	simm.s32 @p0 $0x10400;
	s16 =	simm.s32 @p0 $0x80;
	s13 =	sadd.s32 @p0 $0x280, s12  }
0x62: {  	[tilespmem:s17], [sflag:$0x6] =	stream.indirect.gather @p0 [hbm4b:s4+s16], $0x40, s13, s16, $0xb8;
	[tilespmem:$0x1A400] =	vst v63  }
0x63: {  	s13 =	simm.s32 @p0 $0x11  }
0x64: {  	_ =	swait.ge @p0 [sflag:s13], $0x2000  }
0x65: {  	[sflag:s13] =	ssyncset.done @p0 $0x0  }
0x66: {  	s17 =	simm.s32 @p0 $0x12400;
	[sflag:s13] =	ssyncadd.s32 @p0 $0xFFFFE000;
	s13 =	sadd.s32 @p0 $0x300, s12  }
0x67: {  	[tilespmem:s17], [sflag:$0x7] =	stream.indirect.gather @p0 [hbm4b:s4+s16], $0x40, s13, s16, $0xb8;
	[tilespmem:$0x1A400] =	vst v63  }
0x68: {  	s13 =	simm.s32 @p0 $0x12  }
0x69: {  	_ =	swait.ge @p0 [sflag:s13], $0x2000  }
0x6a: {  	[sflag:s13] =	ssyncset.done @p0 $0x0  }
0x6b: {  	s17 =	simm.s32 @p0 $0x14400;
	[sflag:s13] =	ssyncadd.s32 @p0 $0xFFFFE000;
	s13 =	sadd.s32 @p0 $0x380, s12  }
0x6c: {  	[tilespmem:s17], [sflag:$0x8] =	stream.indirect.gather @p0 [hbm4b:s4+s16], $0x40, s13, s16, $0xb8;
	[tilespmem:$0x1A400] =	vst v63  }
0x6d: {  	s13 =	simm.s32 @p0 $0x13  }
0x6e: {  	_ =	swait.ge @p0 [sflag:s13], $0x2000  }
0x6f: {  	[sflag:s13] =	ssyncset.done @p0 $0x0  }
0x70: {  	s12 =	sadd.s32 @p0 $0x400, s12;
	[sflag:s13] =	ssyncadd.s32 @p0 $0xFFFFE000;
	s13 =	simm.s32 @p0 $0x16400  }
0x71: {  	[tilespmem:s13], [sflag:$0x9] =	stream.indirect.gather @p0 [hbm4b:s4+s16], $0x40, s12, s16, $0xb8;
	[tilespmem:$0x1A400] =	vst v63  }
0x72: {  	s12 =	simm.s32 @p0 $0x14  }
0x73: {  	_ =	swait.ge @p0 [sflag:s12], $0x2000  }
0x74: {  	s13 =	simm.s32 @!p0 $0x280;
	[sflag:s12] =	ssyncset.done @p0 $0x0  }
0x75: {  	s16 =	simm.s32 @!p0 $0x10400;
	[sflag:s12] =	ssyncadd.s32 @p0 $0xFFFFE000;
	s12 =	simm.s32 @!p0 $0x80  }
0x76: {  	[tilespmem:s16], [sflag:$0x6] =	stream.indirect.gather @!p0 [hbm4b:s4+s12], $0x40, s13, s12, $0xb8;
	[tilespmem:$0x1A400] =	vst v63  }
0x77: {  	s13 =	simm.s32 @!p0 $0x300;
	s16 =	simm.s32 @!p0 $0x12400  }
0x78: {  	[tilespmem:s16], [sflag:$0x7] =	stream.indirect.gather @!p0 [hbm4b:s4+s12], $0x40, s13, s12, $0xb8;
	[tilespmem:$0x1A400] =	vst v63  }
0x79: {  	s13 =	simm.s32 @!p0 $0x380;
	s16 =	simm.s32 @!p0 $0x14400  }
0x7a: {  	[tilespmem:s16], [sflag:$0x8] =	stream.indirect.gather @!p0 [hbm4b:s4+s12], $0x40, s13, s12, $0xb8;
	[tilespmem:$0x1A400] =	vst v63  }
0x7b: {  	s13 =	simm.s32 @!p0 $0x400;
	s16 =	simm.s32 @!p0 $0x16400  }
0x7c: {  	[tilespmem:s16], [sflag:$0x9] =	stream.indirect.gather @!p0 [hbm4b:s4+s12], $0x40, s13, s12, $0xb8;
	[tilespmem:$0x1A400] =	vst v63  }
0x7d: {  	s12 =	sshra.s32 s11, $0x2;
	s13 =	sadd.s32 @p0 $0xFFFFFE80, s9  }
0x7e: {  	s16 =	simm.s32 $0x18400;
	s17 =	sadd.s32 $0x480, s12;
	s13 =	simm.s32 @!p0 $0x280  }
0x7f: {  	[tilespmem:s16], [sflag:$0xA] =	stream.indirect.gather [hbm4b:s4+s15], $0x40, s17, s15, $0xb8;
	[tilespmem:$0x1A400] =	vst v63  }
0x80: {  	s13 =	sadd.s32 s3, s13  }
0x81: {  	_ =	swait.ge [sflag:s1], $0x2000;
	s13 =	sshll.u32 s13, $0x4  }
0x82: {  	[sflag:s1] =	ssyncset.done $0x0;
	s13 =	sand.u32 $0x1FFFF800, s13  }
0x83: {  	s17 =	simm.s32 $0x10400;
	[sflag:s1] =	ssyncadd.s32 $0xFFFFE000;
	s13 =	sadd.s32 s10, s13  }
0x84: {  	[hbm4b:s13+s25] =	stream.strided.scatter [tilespmem:s17], [sflag:$0x10], $0x2000, s15, s25, $0x38;
	[tilespmem:$0x1A400] =	vst v63  }
0x85: {  	s13 =	sadd.s32 @p0 $0xFFFFFF00, s9  }
0x86: {  	s13 =	simm.s32 @!p0 $0x300  }
0x87: {  	s13 =	sadd.s32 s3, s13  }
0x88: {  	_ =	swait.ge [sflag:s18], $0x2000;
	s13 =	sshll.u32 s13, $0x4  }
0x89: {  	[sflag:s18] =	ssyncset.done $0x0;
	s13 =	sand.u32 $0x1FFFF000, s13  }
0x8a: {  	s17 =	simm.s32 $0x12400;
	[sflag:s18] =	ssyncadd.s32 $0xFFFFE000;
	s13 =	sadd.s32 s10, s13  }
0x8b: {  	[hbm4b:s13+s25] =	stream.strided.scatter [tilespmem:s17], [sflag:$0x11], $0x2000, s15, s25, $0x38;
	[tilespmem:$0x1A400] =	vst v63  }
0x8c: {  	s13 =	sadd.s32 @p0 $0xFFFFFF80, s9  }
0x8d: {  	s13 =	simm.s32 @!p0 $0x380  }
0x8e: {  	s13 =	sadd.s32 s3, s13  }
0x8f: {  	_ =	swait.ge [sflag:s22], $0x2000;
	s13 =	sshll.u32 s13, $0x4  }
0x90: {  	[sflag:s22] =	ssyncset.done $0x0;
	s13 =	sand.u32 $0x1FFFF800, s13  }
0x91: {  	s17 =	simm.s32 $0x14400;
	[sflag:s22] =	ssyncadd.s32 $0xFFFFE000;
	s13 =	sadd.s32 s10, s13  }
0x92: {  	[hbm4b:s13+s25] =	stream.strided.scatter [tilespmem:s17], [sflag:$0x12], $0x2000, s15, s25, $0x38;
	[tilespmem:$0x1A400] =	vst v63  }
0x93: {  	s13 =	smov.u32 s9  }
0x94: {  	s13 =	simm.s32 @!p0 $0x400  }
0x95: {  	s13 =	sadd.s32 s3, s13  }
0x96: {  	_ =	swait.ge [sflag:s6], $0x2000;
	s13 =	sshll.u32 s13, $0x4  }
0x97: {  	[sflag:s6] =	ssyncset.done $0x0;
	s13 =	sand.u32 $0x1FFFF000, s13  }
0x98: {  	s17 =	simm.s32 $0x16400;
	[sflag:s6] =	ssyncadd.s32 $0xFFFFE000;
	s13 =	sadd.s32 s10, s13  }
0x99: {  	[hbm4b:s13+s25] =	stream.strided.scatter [tilespmem:s17], [sflag:$0x13], $0x2000, s15, s25, $0x38;
	[tilespmem:$0x1A400] =	vst v63  }
0x9a: {  	_ =	swait.ge [sflag:s14], $0x2000  }
0x9b: {  	p0 =	seq.s32 s11, $0x17C00;
	[sflag:s14] =	ssyncset.done $0x0;
	s17 =	rddreg [dreg:$0x9]  }
.Ltmp2:
0x9c: {  	[sflag:s14] =	ssyncadd.s32 $0xFFFFE000;
	s13 =	sadd.s32 s5, s17;
	(pc) =	sbr.rel @p0 .LBB2_4-.Ltmp2, $4  }
0x9d: {  	[hbm4b:s13+s25] =	stream.strided.scatter [tilespmem:s16], [sflag:$0x14], $0x2000, s15, s25, $0x38;
	[tilespmem:$0x1A400] =	vst v63  }
0x9e: {  	_ =	swait.ge [sflag:s0], $0x2000  }
0x9f: {  	[sflag:s0] =	ssyncset.done $0x0  }
0xa0: {  	s19 =	simm.s32 $0x6400;
	s21 =	simm.s32 $0x8400;
	[sflag:s0] =	ssyncadd.s32 $0xFFFFE000  }
0xa1: {  	s13 =	sadd.s32 $0x500, s12  }
0xa2: {  	[tilespmem:s19], [sflag:$0x1] =	stream.indirect.gather [hbm4b:s4+s15], $0x40, s13, s15, $0xb8;
	[tilespmem:$0x1A400] =	vst v63  }
0xa3: {  	_ =	swait.ge [sflag:s20], $0x2000  }
0xa4: {  	[sflag:s20] =	ssyncset.done $0x0  }
0xa5: {  	s16 =	sadd.s32 $0x580, s12;
	[sflag:s20] =	ssyncadd.s32 $0xFFFFE000  }
0xa6: {  	[tilespmem:s21], [sflag:$0x2] =	stream.indirect.gather [hbm4b:s4+s15], $0x40, s16, s15, $0xb8;
	[tilespmem:$0x1A400] =	vst v63  }
0xa7: {  	_ =	swait.ge [sflag:s2], $0x2000  }
0xa8: {  	[sflag:s2] =	ssyncset.done $0x0  }
0xa9: {  	s17 =	sadd.s32 $0x600, s12;
	[sflag:s2] =	ssyncadd.s32 $0xFFFFE000  }
0xaa: {  	[tilespmem:s23], [sflag:$0x3] =	stream.indirect.gather [hbm4b:s4+s15], $0x40, s17, s15, $0xb8;
	[tilespmem:$0x1A400] =	vst v63  }
0xab: {  	_ =	swait.ge [sflag:s7], $0x2000  }
0xac: {  	[sflag:s7] =	ssyncset.done $0x0  }
0xad: {  	s11 =	sadd.s32 $0x1400, s11;
	s19 =	sadd.s32 $0x680, s12;
	[sflag:s7] =	ssyncadd.s32 $0xFFFFE000  }
0xae: {  	[tilespmem:s31], [sflag:$0x4] =	stream.indirect.gather [hbm4b:s4+s15], $0x40, s19, s15, $0xb8;
	[tilespmem:$0x1A400] =	vst v63  }
.Ltmp3:
0xaf: {  	s5 =	sadd.s32 $0x5000, s5;
	_ =	swait.ge [sflag:s8], $0x2000;
	(pc) =	sbr.rel .LBB2_2-.Ltmp3, $4  }
0xb0: {  	s9 =	sadd.s32 $0x500, s9;
	s13 =	simm.s32 $0x6400;
	[sflag:s8] =	ssyncset.done $0x0  }
0xb1: {  	s21 =	sadd.s32 $0x700, s12;
	s16 =	simm.s32 $0x8400;
	[sflag:s8] =	ssyncadd.s32 $0xFFFFE000  }
0xb2: {  	[tilespmem:s24], [sflag:$0x5] =	stream.indirect.gather [hbm4b:s4+s15], $0x40, s21, s15, $0xb8;
	[tilespmem:$0x1A400] =	vst v63  }
0xb3: {  	s17 =	simm.s32 $0xA400;
	s19 =	simm.s32 $0xC400;
	s21 =	simm.s32 $0xE400  }
.LBB2_5:
0xb4: {  	_ =	sfence.sel $0x180000  }
0xb5: {  	[bflag:$0x0] =	sbarrier.arrive $0xFFFF  }
0xb6: {  	_ =	strace $0x9000004A  }
0xb7: {  	s0 =	stileid.u32;
	[bflag:$0x2] =	sbarrier.arrive $0xFFFF  }
0xb8: {  	p0 =	sne.s32 s0, $0x0;
	s0 =	rddreg [dreg:$0x2]  }
0xb9: {  	s0 =	sadd.s32 @!p0 $0x100000, s0  }
0xba: {  	[sflag:s0] =	ssyncadd.tile.s32 @!p0 $0x1;
	_ =	shalt  }
.Lfunc_end2:
_tile_overlayer_lowered:
.L_overlay_start_2:
0xbb: {  	(tag) =	ssettag $0x2  }
0xbc: {  	s0 =	rddreg [dreg:$0x0];
	s2 =	stileid.u32  }
0xbd: {  	s1 =	rddreg [dreg:$0x1];
	p0 =	sne.s32 s2, $0x0  }
0xbe: {  	s3 =	rddreg [dreg:$0x2];
	[bflag:$0x3] =	sbarrier.arrive $0xFFFF;
	s2 =	simm.s32 @!p0 $0x1C15  }
0xbf: {  	[timem:s3], [sflag:s2] =	dma.local @!p0 [hbm:s0], s1  }
0xc0: {  	s0 =	simm.s32 @!p0 $0x15  }
0xc1: {  	_ =	swait.ge @!p0 [sflag:s0], s1  }
0xc2: {  	s1 =	ssub.s32 @!p0 $0x0, s1;
	[sflag:s0] =	ssyncset.done @!p0 $0x0  }
0xc3: {  	[sflag:s0] =	ssyncadd.s32 @!p0 s1  }
0xc4: {  	[bflag:$0x3] =	sbarrier.arrive $0xFFFF  }
0xc5: {  	_ =	shalt  }

// kernel: sparse-core-data-format-call.1.cloned.1.call-start
scs
called_computation.1_lowered:
.L_overlay_start_0:
0x0: {  	s2 =	sld [smem:$0x3FD9]  }
0x1: {  	s3 =	sld [smem:$0x3FFE];
	_ =	sdelay $0x1  }
0x2: {  	s1 =	srdreg.scid  }
0x3: {  	s0 =	sand.u32 $0x1, s1  }
0x4: {  	s18 =	sshll.u32 s0, $0xA;
	s2 =	sadd.s32 s3, s2  }
0x5: {  	s2 =	sadd.s32 s2, s18  }
0x6: {  	[smem:$0x3FC6] =	sst s2  }
0x7: {  	_ = 	snop  }
0x8: {  	s2 =	sld [smem:$0x3FC8];
	(tm) =	ssettm $0x1  }
0x9: {  	s19 =	sld [smem:$0x3FFB];
	_ =	sdelay $0x3  }
0xa: {  	_ =	strace s19  }
0xb: {  	s3 =	sld [smem:$0x3FFC];
	_ =	sdelay $0x3  }
0xc: {  	_ =	strace s3  }
0xd: {  	s3 =	sld [smem:$0x3FFD];
	_ =	sdelay $0x3  }
0xe: {  	_ =	strace s3  }
0xf: {  	_ =	strace $0x8FFFFFFF  }
0x10: {  	s20 =	sld [smem:$0x3FDB];
	_ =	sdelay $0x1  }
0x11: {  	s4 =	simm.s32 $_scs_section_size  }
0x12: {  	s5 =	simm.s32 $_size__tile_overlayer_lowered;
	s6 =	simm.s32 $_tile_overlayer_lowered  }
0x13: {  	s23 =	simm.s32 $0x1BFF;
	s22 =	sshll.u32 s6, $0x1;
	s3 =	sadd.s32 s4, s20  }
0x14: {  	s7 =	simm.s32 $0x0;
	s21 =	sshll.u32 s5, $0x1;
	s5 =	sadd.s32 s22, s3  }
0x15: {  	[timem:s7], [sflag:s23] =	dma.local [hbm:s5], s21  }
0x16: {  	_ =	swait.ge [sflag:s23], s21  }
0x17: {  	s4 =	ssub.s32 $0x0, s21;
	[sflag:s23] =	ssyncset.done $0x0  }
0x18: {  	[sflag:s23] =	ssyncadd.s32 s4;
	_ =	sdelay $0x1  }
0x19: {  	s24 =	simm.s32 $0x1B8B  }
0x1a: {  	_ =	swait.ge [sflag:s24], $0x1  }
0x1b: {  	[sflag:s24] =	ssyncset.done $0x0  }
0x1c: {  	s26 =	simm.s32 $0x1B8E;
	s25 =	sld [smem:$0x3FFE];
	[sflag:s24] =	ssyncadd.s32 $0xFFFFFFFF  }
0x1d: {  	s27 =	simm.s32 $execute0_lowered;
	[smem:$0x3FD2] =	sst s26  }
0x1e: {  	s5 =	sshll.u32 s27, $0x1;
	_ =	strace $0x80000046;
	[dreg:$0x1] =	wrdreg $0xFFFFFFFF  }
0x1f: {  	s28 =	simm.s32 $_size_execute0_lowered;
	s3 =	sadd.s32 s3, s5;
	[dreg:$0x0] =	wrdreg $0x0  }
0x20: {  	s5 =	sshll.u32 s28, $0x1;
	[dreg:$0x2] =	wrdreg s3  }
0x21: {  	[dreg:$0x3] =	wrdreg s5  }
0x22: {  	[dreg:$0x4] =	wrdreg $0xC0  }
0x23: {  	_ =	task [dreg:s7], $0x5FFFF  }
0x24: {  	[dreg:$0x1] =	wrdreg $0xFFFFFFFF  }
0x25: {  	[dreg:$0x0] =	wrdreg $0x60  }
0x26: {  	[dreg:$0x2] =	wrdreg s2  }
0x27: {  	[dreg:$0x3] =	wrdreg s25  }
0x28: {  	[dreg:$0x4] =	wrdreg $0x9  }
0x29: {  	_ =	task.clear_ibuf [dreg:s7], $0x5FFFF;
	_ =	strace $0x90000046  }
0x2a: {  	s29 =	simm.s32 $0x9;
	_ =	strace $0x80000048  }
0x2b: {  	_ =	swait.ge [sflag:s29], $0x1  }
0x2c: {  	[sflag:s29] =	ssyncadd.s32 $0xFFFFFFFF  }
0x2d: {  	_ =	strace $0x90000048  }
0x2e: {  	_ =	sfence  }
0x2f: {  	s30 =	sld [smem:$0x0];
	_ =	sdelay $0x2  }
0x30: {  	s31 =	sshll.u32 s1, $0xD;
	s1 =	sshrl.u32 s1, $0x2  }
0x31: {  	s3 =	sand.u32 $0x4000, s31;
	s1 =	sadd.s32 s1, s30  }
0x32: {  	s0 =	sor.u32 s3, s0;
	s1 =	sshll.u32 s1, $0x11  }
0x33: {  	s0 =	sor.u32 s1, s0  }
0x34: {  	s0 =	sadd.s32 $0x8F2B, s0  }
0x35: {  	[sflag:s0] =	ssyncadd.remote.s32 $0x1  }
0x36: {  	_ =	sfence.sel $0xFFFF  }
0x37: {  	[dreg:$0x0] =	wrdreg $0xFFFFFFFF;
	(pc) =	sbr.abs _section_cstart, $3  }
0x38: {  	[dreg:$0x1] =	wrdreg $0xFFFFFFFF  }
0x39: {  	_ =	task.clear_ibuf [dreg:s7], $0x2FFFF;
	_ =	strace $0x9FFFFFFF  }
0x3a: {  	(tm) =	ssettm $0x7FFFFFFF  }
0x3b: {  	_ =	shalt  }
tec
execute0_lowered:
.L_overlay_start_1:
0x0: {  	(tag) =	ssettag $0x1  }
0x1: {  	s0 =	srdreg.scid;
	s2 =	rddreg [dreg:$0x0]  }
0x2: {  	s5 =	rddreg [dreg:$0x1];
	s1 =	stileid.u32  }
0x3: {  	s4 =	simm.s32 $0x1;
	s6 =	simm.s32 $0x2;
	s15 =	simm.s32 $0x0  }
0x4: {  	p0 =	por $0x0, $0x0;
	s8 =	simm.s32 $0x80;
	s0 =	sshll.u32 s0, $0x4  }
0x5: {  	s14 =	simm.s32 $0x0;
	s9 =	simm.s32 $0x0;
	s3 =	sand.u32 $0x10, s0  }
.Ltmp0:
0x6: {  	s10 =	simm.s32 $0x0;
	s3 =	sor.u32 s1, s3;
	(pc) =	sbr.rel .LBB1_1-.Ltmp0, $4  }
0x7: {  	s0 =	rddreg [dreg:$0x2];
	_ =	strace $0x80000047;
	s3 =	sshll.u32 s3, $0x7  }
0x8: {  	s12 =	simm.s32 $0x0;
	[sflag:s4] =	ssyncpa.u1 $0x0;
	s7 =	ssub.s32 $0xF4200, s3  }
0x9: {  	s13 =	simm.s32 $0x0;
	[sflag:s6] =	ssyncpa.u1 $0x0;
	s6 =	sshrl.u32 s7, $0xC  }
0xa: {  	s5 =	sadd.s32 $0xE00, s5;
	s11 =	smov.u32 s3;
	s7 =	sadd.s32 $0x2, s6  }
.LBB1_5:
0xb: {  	p1 =	slt.u32 s13, $0x2  }
0xc: {  	s17 =	smov.u32 s15;
	p2 =	sgt.s32 @!p1 s15, $0xF41C0;
	s16 =	sshra.s32 @!p1 s15, $0x1F  }
0xd: {  	p3 =	sgt.s32 @!p1 s14, $0x40;
	s18 =	sshra.s32 @!p1 s14, $0x1F;
	p2 =	por !p2, p1  }
0xe: {  	s15 =	sand.u32 @!p1 s16, s15;
	p3 =	por !p3, p1;
	s16 =	smov.u32 s14  }
0xf: {  	s14 =	sand.u32 @!p1 s18, s14;
	s17 =	simm.s32 @p2 $0xF41C0;
	s16 =	simm.s32 @p3 $0x40  }
0x10: {  	s15 =	ssub.s32 @!p1 s17, s15;
	s14 =	ssub.s32 @!p1 s16, s14  }
0x11: {  	s18 =	smov.u32 s12;
	s16 =	sadd.s32 @!p1 $0xFFF0BE40, s15;
	s17 =	sadd.s32 @!p1 $0xFFFFFFC0, s14  }
0x12: {  	s15 =	ssub.s32 @!p1 $0xF4240, s15;
	p2 =	sgt.s32 @!p1 s16, $0x7F;
	p3 =	sgt.s32 @!p1 s17, $0x3F  }
0x13: {  	s14 =	ssub.s32 @!p1 $0x80, s14;
	p2 =	por !p2, p1;
	p3 =	por !p3, p1  }
0x14: {  	s16 =	sadd.s32 $0x1000, s11;
	s15 =	simm.s32 @!p2 $0x0;
	s14 =	simm.s32 @!p3 $0x0  }
0x15: {  	p2 =	sgt.s32 s16, $0xF423F;
	s14 =	smul.u32 @!p1 s14, s15;
	s15 =	sadd.s32 $0x40, s12  }
0x16: {  	s18 =	smov.u32 @p2 s15  }
0x17: {  	s16 =	smov.u32 @p2 s3;
	p2 =	sgt.s32 s18, $0x3F  }
0x18: {  	s18 =	simm.s32 @p2 $0x0;
	p2 =	sne.s32 s13, s7  }
.Ltmp1:
0x19: {  	p0 =	por !p0, !p0;
	s17 =	simm.s32 @!p1 $0x2;
	(pc) =	sbr.rel @!p2 .LBB1_6-.Ltmp1, $4  }
0x1a: {  	s15 =	smov.u32 s9;
	s9 =	smov.u32 s11;
	s14 =	sand.u32 @!p1 $0x3FFFFFFF, s14  }
0x1b: {  	s11 =	smov.u32 s16;
	_ =	swait.ge @!p1 [sflag:s17], s14;
	s19 =	ssub.s32 @!p1 $0x0, s14  }
0x1c: {  	s14 =	smov.u32 s10;
	s13 =	sadd.s32 $0x1, s13;
	[sflag:s17] =	ssyncset.done @!p1 $0x0  }
0x1d: {  	s10 =	smov.u32 s12;
	s12 =	smov.u32 s18;
	[sflag:s17] =	ssyncadd.s32 @!p1 s19  }
.LBB1_1:
0x1e: {  	p1 =	sgt.u32 s13, s6  }
0x1f: {  	s16 =	sshrl.u32 @!p1 s12, $0x3  }
0x20: {  	s17 =	sshll.u32 @!p1 s11, $0x3;
	s16 =	smul.u32 @!p1 $0x7A1400, s16  }
0x21: {  	s18 =	sshll.u32 @!p1 s12, $0x7;
	s17 =	sand.u32 @!p1 $0xFFFFFC00, s17  }
0x22: {  	s16 =	sadd.s32 @!p1 s16, s17;
	s17 =	sand.u32 @!p1 $0x380, s18  }
0x23: {  	s18 =	sand.u32 @!p1 $0x7F, s11;
	s16 =	sor.u32 @!p1 s17, s16  }
0x24: {  	s17 =	sor.u32 @!p1 s18, s16  }
0x25: {  	s18 =	smulhi.u32 @!p1 $0x218D6287, s17;
	_ =	sdelay $0x1  }
0x26: {  	s16 =	smulhi.u32 @!p1 $0x218D6287, s16;
	s18 =	sshrl.u32 @!p1 s18, $0x11  }
0x27: {  	s18 =	smul.u32 @!p1 $0xF4280, s18  }
0x28: {  	s19 =	sxor.u32 @!p1 $0xFFFFFFFF, s13;
	s16 =	sshrl.u32 @!p1 s16, $0x11  }
0x29: {  	s19 =	sshll.u32 @!p1 s19, $0xD;
	s16 =	sand.u32 @!p1 $0x3F, s16;
	s17 =	ssub.s32 @!p1 s17, s18  }
0x2a: {  	s16 =	smul.u32 @!p1 $0x1E850, s16;
	s18 =	sshrl.u32 @!p1 s17, $0x3;
	s17 =	sand.u32 @!p1 $0x7, s17  }
0x2b: {  	s19 =	sand.u32 @!p1 $0x2000, s19;
	s18 =	sadd.s32 @!p1 s2, s18;
	s17 =	sshll.u32 @!p1 s17, $0x12  }
0x2c: {  	s16 =	sadd.s32 @!p1 s16, s18;
	s17 =	sor.u32 @!p1 $0x400, s17;
	s18 =	simm.s32 @!p1 $0x7A1400  }
0x2d: {  	[tilespmem:s19], [sflag:$0x1] =	stream.strided.gather @!p1 [hbm4b:s16+s17], $0x2000, s18, s17, $0x38;
	[tilespmem:$0x8100] =	vst v63  }
0x2e: {  	p1 =	seq.s32 s13, $0x0  }
0x2f: {  	p2 =	sge.u32 @!p1 s13, s7  }
0x30: {  	p1 =	por p1, p2  }
.Ltmp2:
0x31: {  	_ = 	snop;
	(pc) =	sbr.rel @p1 .LBB1_5-.Ltmp2, $1  }
0x32: {  	_ =	sdelay $0x3  }
0x33: {  	s16 =	simm.s32 $0x1  }
0x34: {  	_ =	swait.ge [sflag:s4], $0x2000;
	s16 =	simm.s32 @!p0 $0x0  }
0x35: {  	[sflag:s4] =	ssyncset.done $0x0;
	s17 =	sshll.u32 s16, $0xD  }
0x36: {  	[sflag:s4] =	ssyncadd.s32 $0xFFFFE000;
	s17 =	sor.u32 $0x40, s17  }
0x37: {  	s16 =	smul.u32 $0x8200, s16;
	v0 =	vld [tilespmem:s17+$0x30]  }
0x38: {  	v1 =	vld [tilespmem:s17+$0xFFFFFFD0]  }
0x39: {  	s16 =	sshrl.u32 s16, $0x2;
	v5 =	vld [tilespmem:s17+$0xFFFFFFE0]  }
0x3a: {  	v6 =	vld [tilespmem:s17+$0xFFFFFFF0];
	s19 =	sor.u32 $0x4000, s16  }
0x3b: {  	s31 =	sand.u32 $0x1, s13;
	v4 =	vld [tilespmem:s17+$0x0];
	s18 =	sadd.s32 $0x0, s19  }
0x3c: {  	v3 =	vld [tilespmem:s17+$0x10];
	s16 =	smul.u32 $0x8200, s31;
	[tilespmem:s18+$0x1C70 ss:$0x41] =	vst.msk $0xffff, v0  }
0x3d: {  	v2 =	vld [tilespmem:s17+$0x20];
	[tilespmem:s18+$0x410 ss:$0x41] =	vst.msk $0xffff, v1  }
0x3e: {  	s16 =	sshrl.u32 s16, $0x2;
	v1 =	vld [tilespmem:s17+$0xFFFFFFC0];
	[tilespmem:s18+$0x820 ss:$0x41] =	vst.msk $0xffff, v5;
	s17 =	sadd.s32 $0x80, s17  }
0x3f: {  	s20 =	simm.s32 $0x4;
	s21 =	simm.s32 $0x8;
	s16 =	sor.u32 $0x4000, s16;
	[tilespmem:s18+$0xC30 ss:$0x41] =	vst.msk $0xffff, v6;
	v0 =	vld [tilespmem:s17+$0x30]  }
.LBB1_3:
0x40: {  	p1 =	sne.s32 s21, $0xFC;
	v5 =	vld [tilespmem:s17+$0xFFFFFFD0];
	[tilespmem:s18+$0x1040 ss:$0x41] =	vst.msk $0xffff, v4  }
0x41: {  	v6 =	vld [tilespmem:s17+$0xFFFFFFE0];
	[tilespmem:s18+$0x1450 ss:$0x41] =	vst.msk $0xffff, v3  }
0x42: {  	s22 =	sshra.s32 s20, $0x2;
	s20 =	smov.u32 s21;
	v7 =	vld [tilespmem:s17+$0xFFFFFFF0];
	[tilespmem:s18+$0x1860 ss:$0x41] =	vst.msk $0xffff, v2  }
.Ltmp3:
0x43: {  	v4 =	vld [tilespmem:s17+$0x0];
	[tilespmem:s18+$0x0 ss:$0x41] =	vst.msk $0xffff, v1;
	s18 =	sadd.s32 s22, s19;
	(pc) =	sbr.rel @p1 .LBB1_3-.Ltmp3, $4  }
0x44: {  	v3 =	vld [tilespmem:s17+$0x10];
	[tilespmem:s18+$0x1C70 ss:$0x41] =	vst.msk $0xffff, v0  }
0x45: {  	[tilespmem:s18+$0x410 ss:$0x41] =	vst.msk $0xffff, v5;
	v2 =	vld [tilespmem:s17+$0x20]  }
0x46: {  	v1 =	vld [tilespmem:s17+$0xFFFFFFC0];
	[tilespmem:s18+$0x820 ss:$0x41] =	vst.msk $0xffff, v6;
	s17 =	sadd.s32 $0x80, s17  }
0x47: {  	s21 =	sadd.s32 $0x4, s21;
	v0 =	vld [tilespmem:s17+$0x30];
	[tilespmem:s18+$0xC30 ss:$0x41] =	vst.msk $0xffff, v7  }
0x48: {  	s21 =	sshll.u32 s9, $0x7;
	s22 =	sshll.u32 s10, $0x3;
	s20 =	sshra.s32 s20, $0x2  }
0x49: {  	p1 =	sgt.s32 s9, $0xF41C0;
	s30 =	sshra.s32 s9, $0x1F;
	s25 =	sshra.s32 s10, $0x1F  }
0x4a: {  	v5 =	vld [tilespmem:s17+$0xFFFFFFD0];
	s28 =	sshrl.u32 s10, $0x3;
	s23 =	sand.u32 $0xFFFFFC00, s21;
	s22 =	sand.u32 $0xFFFFFC00, s22  }
0x4b: {  	[tilespmem:s18+$0x1040 ss:$0x41] =	vst.msk $0xffff, v4;
	v58 =	vld [tilespmem:s17+$0xFFFFFFE0];
	s21 =	sand.u32 $0x380, s21;
	s19 =	sadd.s32 s20, s19;
	s22 =	sadd.s32 s22, s23  }
0x4c: {  	v59 =	vld [tilespmem:s17+$0xFFFFFFF0];
	[tilespmem:s18+$0x1450 ss:$0x41] =	vst.msk $0xffff, v3;
	s29 =	sor.u32 s21, s22;
	s21 =	smov.u32 s9;
	s22 =	sand.u32 s30, s9  }
0x4d: {  	v60 =	vld [tilespmem:s17+$0x0];
	[tilespmem:s18+$0x1860 ss:$0x41] =	vst.msk $0xffff, v2;
	s30 =	sand.u32 $0x7, s10;
	s20 =	sshrl.u32 s29, $0x7;
	s21 =	simm.s32 @!p1 $0xF41C0  }
0x4e: {  	v61 =	vld [tilespmem:s17+$0x10];
	[tilespmem:s18+$0x0 ss:$0x41] =	vst.msk $0xffff, v1;
	p1 =	sgt.s32 s10, $0x40;
	s24 =	ssub.s32 s21, s22;
	s21 =	smov.u32 s10  }
0x4f: {  	v62 =	vld [tilespmem:s17+$0x20];
	[tilespmem:s19+$0x1C70 ss:$0x41] =	vst.msk $0xffff, v0;
	s31 =	smulhi.u32 $0x218DEF5, s20;
	s22 =	sand.u32 s25, s10;
	s21 =	simm.s32 @!p1 $0x40  }
0x50: {  	v63 =	vld [tilespmem:s17+$0xFFFFFFC0];
	[tilespmem:s19+$0x410 ss:$0x41] =	vst.msk $0xffff, v5;
	s26 =	sadd.s32 $0xFFF0BE40, s24;
	s17 =	ssub.s32 $0xF4240, s24;
	s21 =	ssub.s32 s21, s22  }
0x51: {  	[tilespmem:s19+$0x820 ss:$0x41] =	vst.msk $0xffff, v58;
	s23 =	sshrl.u32 s31, $0xD;
	p1 =	sgt.s32 s26, $0x7F;
	s27 =	sadd.s32 $0xFFFFFFC0, s21  }
0x52: {  	[tilespmem:s19+$0xC30 ss:$0x41] =	vst.msk $0xffff, v59;
	s23 =	smul.u32 $0xF4240, s23;
	s18 =	ssub.s32 $0x80, s21;
	p2 =	sgt.s32 s27, $0x3F  }
.Ltmp4:
0x53: {  	[tilespmem:s19+$0x1040 ss:$0x41] =	vst.msk $0xffff, v60;
	s17 =	simm.s32 @p1 $0x0;
	s18 =	simm.s32 @p2 $0x0;
	(pc) =	sbr.rel .LBB1_5-.Ltmp4, $4  }
0x54: {  	s29 =	sand.u32 $0xF, s28;
	[tilespmem:s19+$0x1450 ss:$0x41] =	vst.msk $0xffff, v61;
	s20 =	ssub.s32 s20, s23;
	s17 =	smul.u32 s18, s17  }
0x55: {  	[tilespmem:s19+$0x1860 ss:$0x41] =	vst.msk $0xffff, v62;
	s21 =	sshll.u32 s30, $0x12;
	s20 =	sshll.u32 s20, $0x4;
	s18 =	sadd.s32 s5, s29  }
0x56: {  	[tilespmem:s19+$0x0 ss:$0x41] =	vst.msk $0xffff, v63;
	s31 =	sor.u32 $0x40, s21;
	s18 =	sadd.s32 s20, s18;
	s17 =	sand.u32 $0x3FFFFFFF, s17  }
0x57: {  	[hbm4b:s18+s31] =	stream.strided.scatter [tilespmem:s16], [sflag:$0x2], s17, s8, s31, $0x18;
	[tilespmem:$0x8100] =	vst v63  }
.LBB1_6:
0x58: {  	_ =	sfence.sel $0x180000  }
0x59: {  	s2 =	simm.s32 $0x1;
	[bflag:$0x0] =	sbarrier.arrive $0xFFFF  }
0x5a: {  	s31 =	simm.s32 $0x2;
	[sflag:s2] =	ssyncpa.u1 $0x1  }
0x5b: {  	[sflag:s31] =	ssyncpa.u1 $0x1  }
0x5c: {  	p0 =	sne.s32 s1, $0x0;
	_ =	strace $0x90000047  }
0x5d: {  	s0 =	sadd.s32 @!p0 $0x100000, s0;
	[bflag:$0x2] =	sbarrier.arrive $0xFFFF  }
0x5e: {  	[sflag:s0] =	ssyncadd.tile.s32 @!p0 $0x1;
	_ =	shalt  }
.Lfunc_end1:
_tile_overlayer_lowered:
.L_overlay_start_2:
0x5f: {  	(tag) =	ssettag $0x2  }
0x60: {  	s0 =	rddreg [dreg:$0x0];
	s2 =	stileid.u32  }
0x61: {  	s1 =	rddreg [dreg:$0x1];
	p0 =	sne.s32 s2, $0x0  }
0x62: {  	s3 =	rddreg [dreg:$0x2];
	[bflag:$0x3] =	sbarrier.arrive $0xFFFF;
	s2 =	simm.s32 @!p0 $0x1C01  }
0x63: {  	[timem:s3], [sflag:s2] =	dma.local @!p0 [hbm:s0], s1  }
0x64: {  	s0 =	simm.s32 @!p0 $0x1  }
0x65: {  	_ =	swait.ge @!p0 [sflag:s0], s1  }
0x66: {  	s1 =	ssub.s32 @!p0 $0x0, s1;
	[sflag:s0] =	ssyncset.done @!p0 $0x0  }
0x67: {  	[sflag:s0] =	ssyncadd.s32 @!p0 s1  }
0x68: {  	[bflag:$0x3] =	sbarrier.arrive $0xFFFF  }
0x69: {  	_ =	shalt  }

// kernel: sparse-core-data-format-call.cloned.1.call-start
scs
called_computation_lowered:
.L_overlay_start_0:
0x0: {  	s2 =	sld [smem:$0x3FD9]  }
0x1: {  	s3 =	sld [smem:$0x3FFE];
	_ =	sdelay $0x1  }
0x2: {  	s1 =	srdreg.scid  }
0x3: {  	s0 =	sand.u32 $0x1, s1  }
0x4: {  	s18 =	sshll.u32 s0, $0xA;
	s2 =	sadd.s32 s3, s2  }
0x5: {  	s2 =	sadd.s32 s2, s18  }
0x6: {  	[smem:$0x3FC6] =	sst s2  }
0x7: {  	_ = 	snop  }
0x8: {  	s2 =	sld [smem:$0x3FD0];
	(tm) =	ssettm $0x1  }
0x9: {  	s19 =	sld [smem:$0x3FFB];
	_ =	sdelay $0x3  }
0xa: {  	_ =	strace s19  }
0xb: {  	s3 =	sld [smem:$0x3FFC];
	_ =	sdelay $0x3  }
0xc: {  	_ =	strace s3  }
0xd: {  	s3 =	sld [smem:$0x3FFD];
	_ =	sdelay $0x3  }
0xe: {  	_ =	strace s3  }
0xf: {  	_ =	strace $0x8FFFFFFF  }
0x10: {  	s20 =	sld [smem:$0x3FDB];
	_ =	sdelay $0x1  }
0x11: {  	s4 =	simm.s32 $_scs_section_size  }
0x12: {  	s5 =	simm.s32 $_size__tile_overlayer_lowered;
	s6 =	simm.s32 $_tile_overlayer_lowered  }
0x13: {  	s23 =	simm.s32 $0x1BFF;
	s22 =	sshll.u32 s6, $0x1;
	s3 =	sadd.s32 s4, s20  }
0x14: {  	s7 =	simm.s32 $0x0;
	s21 =	sshll.u32 s5, $0x1;
	s5 =	sadd.s32 s22, s3  }
0x15: {  	[timem:s7], [sflag:s23] =	dma.local [hbm:s5], s21  }
0x16: {  	_ =	swait.ge [sflag:s23], s21  }
0x17: {  	s4 =	ssub.s32 $0x0, s21;
	[sflag:s23] =	ssyncset.done $0x0  }
0x18: {  	[sflag:s23] =	ssyncadd.s32 s4;
	_ =	sdelay $0x1  }
0x19: {  	s24 =	simm.s32 $0x1B8B  }
0x1a: {  	_ =	swait.ge [sflag:s24], $0x1  }
0x1b: {  	[sflag:s24] =	ssyncset.done $0x0  }
0x1c: {  	s26 =	simm.s32 $0x1B8E;
	s25 =	sld [smem:$0x3FFE];
	[sflag:s24] =	ssyncadd.s32 $0xFFFFFFFF  }
0x1d: {  	s27 =	simm.s32 $execute0_lowered;
	[smem:$0x3FD2] =	sst s26  }
0x1e: {  	s5 =	sshll.u32 s27, $0x1;
	_ =	strace $0x8000004C;
	[dreg:$0x1] =	wrdreg $0xFFFFFFFF  }
0x1f: {  	s28 =	simm.s32 $_size_execute0_lowered;
	s3 =	sadd.s32 s3, s5;
	[dreg:$0x0] =	wrdreg $0x0  }
0x20: {  	s5 =	sshll.u32 s28, $0x1;
	[dreg:$0x2] =	wrdreg s3  }
0x21: {  	[dreg:$0x3] =	wrdreg s5  }
0x22: {  	[dreg:$0x4] =	wrdreg $0xC0  }
0x23: {  	_ =	task [dreg:s7], $0x5FFFF  }
0x24: {  	[dreg:$0x1] =	wrdreg $0xFFFFFFFF  }
0x25: {  	[dreg:$0x0] =	wrdreg $0x60  }
0x26: {  	[dreg:$0x2] =	wrdreg s25  }
0x27: {  	[dreg:$0x3] =	wrdreg s2  }
0x28: {  	[dreg:$0x4] =	wrdreg $0x9  }
0x29: {  	_ =	task.clear_ibuf [dreg:s7], $0x5FFFF;
	_ =	strace $0x9000004C  }
0x2a: {  	s29 =	simm.s32 $0x9;
	_ =	strace $0x8000004E  }
0x2b: {  	_ =	swait.ge [sflag:s29], $0x1  }
0x2c: {  	[sflag:s29] =	ssyncadd.s32 $0xFFFFFFFF  }
0x2d: {  	_ =	strace $0x9000004E  }
0x2e: {  	_ =	sfence  }
0x2f: {  	s30 =	sld [smem:$0x0];
	_ =	sdelay $0x2  }
0x30: {  	s31 =	sshll.u32 s1, $0xD;
	s1 =	sshrl.u32 s1, $0x2  }
0x31: {  	s3 =	sand.u32 $0x4000, s31;
	s1 =	sadd.s32 s1, s30  }
0x32: {  	s0 =	sor.u32 s3, s0;
	s1 =	sshll.u32 s1, $0x11  }
0x33: {  	s0 =	sor.u32 s1, s0  }
0x34: {  	s0 =	sadd.s32 $0x8F2B, s0  }
0x35: {  	[sflag:s0] =	ssyncadd.remote.s32 $0x1  }
0x36: {  	_ =	sfence.sel $0xFFFF  }
0x37: {  	[dreg:$0x0] =	wrdreg $0xFFFFFFFF;
	(pc) =	sbr.abs _section_cstart, $3  }
0x38: {  	[dreg:$0x1] =	wrdreg $0xFFFFFFFF  }
0x39: {  	_ =	task.clear_ibuf [dreg:s7], $0x2FFFF;
	_ =	strace $0x9FFFFFFF  }
0x3a: {  	(tm) =	ssettm $0x7FFFFFFF  }
0x3b: {  	_ =	shalt  }
tec
execute0_lowered:
.L_overlay_start_1:
0x0: {  	(tag) =	ssettag $0x1  }
0x1: {  	s0 =	srdreg.scid  }
0x2: {  	s1 =	sshll.u32 s0, $0x4  }
0x3: {  	s0 =	stileid.u32;
	s1 =	sand.u32 $0x10, s1  }
0x4: {  	s1 =	sor.u32 s0, s1  }
0x5: {  	s6 =	rddreg [dreg:$0x0];
	s4 =	simm.s32 $0x1;
	s2 =	sshll.u32 s1, $0x7  }
0x6: {  	s7 =	simm.s32 $0x2;
	s12 =	simm.s32 $0x0;
	s1 =	ssub.s32 $0x1000, s2  }
0x7: {  	s8 =	simm.s32 $0x8000;
	s13 =	simm.s32 $0x0;
	s3 =	sand.u32 $0xF80, s1  }
0x8: {  	s9 =	simm.s32 $0x0;
	s5 =	sshrl.u32 s1, $0xC;
	p0 =	sne.s32 s3, $0x0  }
.Ltmp0:
0x9: {  	s1 =	rddreg [dreg:$0x2];
	s4 =	simm.s32 @!p0 $0x0;
	(pc) =	sbr.rel .LBB1_1-.Ltmp0, $4  }
0xa: {  	s11 =	simm.s32 $0x0;
	s3 =	rddreg [dreg:$0x1];
	s5 =	sadd.s32 s4, s5  }
0xb: {  	_ =	strace $0x8000004D;
	s4 =	simm.s32 $0x1;
	s5 =	smul.u32 $0xC8, s5  }
0xc: {  	s6 =	sadd.s32 $0xE00, s6;
	s10 =	smov.u32 s2;
	[sflag:s4] =	ssyncpa.u1 $0x0  }
0xd: {  	p0 =	por $0x0, $0x0;
	[sflag:s7] =	ssyncpa.u1 $0x0;
	s7 =	sor.u32 $0x1, s5  }
.LBB1_4:
0xe: {  	s16 =	sshll.u32 s13, $0x3;
	s17 =	sand.u32 $0x78, s13  }
0xf: {  	s30 =	sand.u32 $0x7E00, s13;
	s12 =	sshll.u32 s12, $0xF;
	s16 =	sand.u32 $0xC00, s16  }
0x10: {  	[tilespmem:s15+$0x810 ss:$0x81] =	vst.msk $0xffff, v2;
	s31 =	sand.u32 $0x7, s13;
	s16 =	sor.u32 s17, s16;
	s17 =	sadd.s32 s3, s30  }
0x11: {  	[tilespmem:s15+$0x1020 ss:$0x81] =	vst.msk $0xffff, v0;
	s13 =	sshll.u32 s31, $0x12;
	s12 =	sadd.s32 s12, s17;
	s16 =	sshrl.u32 s16, $0x3  }
0x12: {  	[tilespmem:s15+$0x0 ss:$0x81] =	vst.msk $0xffff, v1;
	s13 =	sor.u32 $0x400, s13;
	s12 =	sadd.s32 s16, s12  }
0x13: {  	[hbm4b:s12+s13] =	stream.strided.scatter [tilespmem:s14], [sflag:$0x2], $0x2000, s8, s13, $0x20;
	[tilespmem:$0x8080] =	vst v63  }
.LBB1_5:
0x14: {  	s14 =	sadd.s32 $0x1, s9  }
0x15: {  	s12 =	sadd.s32 $0x1000, s10;
	s16 =	smov.u32 s10;
	p2 =	sgt.s32 s14, $0xC7  }
0x16: {  	s16 =	smov.u32 @p2 s12  }
0x17: {  	s14 =	simm.s32 @p2 $0x0;
	p2 =	sgt.s32 s16, $0xFFF  }
0x18: {  	s16 =	smov.u32 @p2 s2;
	p2 =	sne.s32 s11, s7  }
.Ltmp1:
0x19: {  	p1 =	slt.u32 s11, $0x2;
	(pc) =	sbr.rel @!p2 .LBB1_6-.Ltmp1, $4  }
0x1a: {  	s15 =	simm.s32 @!p1 $0x2  }
0x1b: {  	s13 =	smov.u32 s10;
	p0 =	por !p0, !p0;
	_ =	swait.ge @!p1 [sflag:s15], $0x2000  }
0x1c: {  	s12 =	smov.u32 s9;
	[sflag:s15] =	ssyncset.done @!p1 $0x0;
	s9 =	smov.u32 s14  }
0x1d: {  	s11 =	sadd.s32 $0x1, s11;
	[sflag:s15] =	ssyncadd.s32 @!p1 $0xFFFFE000;
	s10 =	smov.u32 s16  }
.LBB1_1:
0x1e: {  	p1 =	sge.u32 s11, s5  }
0x1f: {  	s14 =	sand.u32 @!p1 $0x1FFFFFF, s9  }
0x20: {  	s15 =	smulhi.u32 @!p1 $0x147AE15, s14;
	_ =	sdelay $0x1  }
0x21: {  	s15 =	smul.u32 @!p1 $0xC8, s15  }
0x22: {  	s16 =	sxor.u32 @!p1 $0xFFFFFFFF, s11;
	s17 =	smul.u32 @!p1 $0xC80, s10  }
0x23: {  	s31 =	sadd.s32 $0xFFFFFFFF, s11;
	s16 =	sshll.u32 @!p1 s16, $0xD;
	s14 =	ssub.s32 @!p1 s14, s15  }
0x24: {  	s15 =	sand.u32 @!p1 $0x2000, s16;
	s16 =	sadd.s32 @!p1 s6, s17;
	s14 =	sshll.u32 @!p1 s14, $0x4  }
0x25: {  	s17 =	simm.s32 @!p1 $0x6400;
	s14 =	sadd.s32 @!p1 s14, s16;
	s16 =	simm.s32 @!p1 $0x40  }
0x26: {  	[tilespmem:s15], [sflag:$0x1] =	stream.strided.gather @!p1 [hbm4b:s14+s16], $0x2000, s17, s16, $0x38;
	[tilespmem:$0x8080] =	vst v63  }
0x27: {  	p1 =	sge.u32 s31, s5  }
.Ltmp2:
0x28: {  	_ = 	snop;
	(pc) =	sbr.rel @p1 .LBB1_5-.Ltmp2, $1  }
0x29: {  	_ =	sdelay $0x3  }
0x2a: {  	s14 =	simm.s32 $0x1  }
0x2b: {  	_ =	swait.ge [sflag:s4], $0x2000;
	s14 =	simm.s32 @!p0 $0x0  }
0x2c: {  	[sflag:s4] =	ssyncset.done $0x0;
	s15 =	sshll.u32 s14, $0xD  }
0x2d: {  	[sflag:s4] =	ssyncadd.s32 $0xFFFFE000;
	s18 =	sor.u32 $0x20, s15  }
0x2e: {  	s14 =	smul.u32 $0x8100, s14;
	v3 =	vld [tilespmem:s18+$0x10]  }
0x2f: {  	s30 =	sand.u32 $0x1, s11;
	v2 =	vld [tilespmem:s18+$0xFFFFFFF0]  }
0x30: {  	s15 =	smul.u32 $0x8100, s30;
	s14 =	sshrl.u32 s14, $0x2;
	v0 =	vld [tilespmem:s18+$0x0]  }
0x31: {  	v1 =	vld [tilespmem:s18+$0xFFFFFFE0];
	s16 =	sor.u32 $0x4000, s14  }
0x32: {  	s31 =	sshrl.u32 s15, $0x2;
	s15 =	sadd.s32 $0x0, s16  }
0x33: {  	s17 =	simm.s32 $0x4;
	s18 =	sadd.s32 $0x40, s18;
	s14 =	sor.u32 $0x4000, s31;
	[tilespmem:s15+$0x1830 ss:$0x81] =	vst.msk $0xffff, v3  }
.LBB1_3:
0x34: {  	v3 =	vld [tilespmem:s18+$0x10];
	p1 =	sne.s32 s17, $0x1FC;
	[tilespmem:s15+$0x810 ss:$0x81] =	vst.msk $0xffff, v2;
	s19 =	smov.u32 s17;
	s17 =	sadd.s32 $0x4, s17  }
.Ltmp3:
0x35: {  	v2 =	vld [tilespmem:s18+$0xFFFFFFF0];
	[tilespmem:s15+$0x1020 ss:$0x81] =	vst.msk $0xffff, v0;
	(pc) =	sbr.rel @p1 .LBB1_3-.Ltmp3, $4  }
0x36: {  	v0 =	vld [tilespmem:s18+$0x0];
	[tilespmem:s15+$0x0 ss:$0x81] =	vst.msk $0xffff, v1  }
0x37: {  	s15 =	sshra.s32 s19, $0x2;
	v1 =	vld [tilespmem:s18+$0xFFFFFFE0]  }
0x38: {  	s15 =	sadd.s32 s15, s16  }
0x39: {  	s18 =	sadd.s32 $0x40, s18;
	[tilespmem:s15+$0x1830 ss:$0x81] =	vst.msk $0xffff, v3  }
.Ltmp4:
0x3a: {  	_ = 	snop;
	(pc) =	sbr.rel .LBB1_4-.Ltmp4, $1  }
0x3b: {  	_ =	sdelay $0x3  }
.LBB1_6:
0x3c: {  	_ =	sfence.sel $0x180000  }
0x3d: {  	s2 =	simm.s32 $0x1;
	[bflag:$0x0] =	sbarrier.arrive $0xFFFF  }
0x3e: {  	s31 =	simm.s32 $0x2;
	[sflag:s2] =	ssyncpa.u1 $0x1  }
0x3f: {  	[sflag:s31] =	ssyncpa.u1 $0x1  }
0x40: {  	p0 =	sne.s32 s0, $0x0;
	_ =	strace $0x9000004D  }
0x41: {  	s0 =	sadd.s32 @!p0 $0x100000, s1;
	[bflag:$0x2] =	sbarrier.arrive $0xFFFF  }
0x42: {  	[sflag:s0] =	ssyncadd.tile.s32 @!p0 $0x1;
	_ =	shalt  }
.Lfunc_end1:
_tile_overlayer_lowered:
.L_overlay_start_2:
0x43: {  	(tag) =	ssettag $0x2  }
0x44: {  	s0 =	rddreg [dreg:$0x0];
	s2 =	stileid.u32  }
0x45: {  	s1 =	rddreg [dreg:$0x1];
	p0 =	sne.s32 s2, $0x0  }
0x46: {  	s3 =	rddreg [dreg:$0x2];
	[bflag:$0x3] =	sbarrier.arrive $0xFFFF;
	s2 =	simm.s32 @!p0 $0x1C01  }
0x47: {  	[timem:s3], [sflag:s2] =	dma.local @!p0 [hbm:s0], s1  }
0x48: {  	s0 =	simm.s32 @!p0 $0x1  }
0x49: {  	_ =	swait.ge @!p0 [sflag:s0], s1  }
0x4a: {  	s1 =	ssub.s32 @!p0 $0x0, s1;
	[sflag:s0] =	ssyncset.done @!p0 $0x0  }
0x4b: {  	[sflag:s0] =	ssyncadd.s32 @!p0 s1  }
0x4c: {  	[bflag:$0x3] =	sbarrier.arrive $0xFFFF  }
0x4d: {  	_ =	shalt  }

</sc_bundles>
